<compile_context>
chip_gen: v7x
topology: tpu7x:2x2x1
jax: 0.10.2.dev20260603
libtpu: 0.0.44.dev20260713+nightly
codegen_flags: <defaults>
</compile_context>

<pallas_src>
import functools

import jax
import jax.numpy as jnp
from jax import lax
from jax.experimental import pallas as pl
from jax.experimental.pallas import tpu as pltpu
from jax.experimental.pallas import tpu_sc as plsc

H = 768
NC = 2
NS = 16
NW = NC * NS
K = 8
IDX_PER_CHUNK = K * 11
LANES = 16


def _sc_sum_kernel(total_rows: int, cpw: int):
    mesh = plsc.VectorSubcoreMesh(core_axis_name="c", subcore_axis_name="s")

    @functools.partial(
        pl.kernel,
        mesh=mesh,
        out_type=jax.ShapeDtypeStruct((total_rows, H), jnp.float32),
        scratch_types=[
            pltpu.VMEM((cpw, IDX_PER_CHUNK), jnp.int32),
            pltpu.VMEM((IDX_PER_CHUNK, H), jnp.float32),
            pltpu.VMEM((K, H), jnp.float32),
            pltpu.SemaphoreType.DMA,
            pltpu.SemaphoreType.DMA,
        ],
    )
    def k(table_hbm, gidx_hbm, out_hbm, idx_v, rows_v, out_v, sem_g, sem_o):
        wid = lax.axis_index("s") * NC + lax.axis_index("c")
        pltpu.sync_copy(gidx_hbm.at[wid], idx_v)

        def chunk_body(t, carry):
            pltpu.async_copy(table_hbm.at[idx_v.at[t]], rows_v, sem_g).wait()

            def col_body(c, cc):
                for kk in range(K):
                    acc = rows_v[kk * 11, pl.ds(c * LANES, LANES)]
                    for j in range(1, 11):
                        acc = acc + rows_v[kk * 11 + j, pl.ds(c * LANES, LANES)]
                    out_v[kk, pl.ds(c * LANES, LANES)] = acc
                return cc

            lax.fori_loop(0, H // LANES, col_body, 0)
            pltpu.async_copy(
                out_v, out_hbm.at[pl.ds(wid * cpw * K + t * K, K)], sem_o
            ).wait()
            return carry

        lax.fori_loop(0, cpw, chunk_body, 0)

    return k


def kernel(input_nodes, in_degree, out_degree, atom_table, in_table, out_table, graph_token):
    B, N, F = input_nodes.shape
    num_atom = atom_table.shape[0]
    num_in = in_table.shape[0]
    total_rows = B * (N + 1)
    cpw = total_rows // (NW * K)

    table = jnp.concatenate(
        [atom_table, in_table, out_table, graph_token], axis=0
    ).astype(jnp.float32)
    tok_row = num_atom + num_in + out_table.shape[0]

    atoms = input_nodes.astype(jnp.int32)
    node_idx = jnp.concatenate(
        [
            atoms,
            (in_degree.astype(jnp.int32) + num_atom)[..., None],
            (out_degree.astype(jnp.int32) + num_atom + num_in)[..., None],
        ],
        axis=-1,
    )
    tok_idx = jnp.zeros((B, 1, F + 2), jnp.int32).at[:, :, 0].set(tok_row)
    gidx = jnp.concatenate([tok_idx, node_idx], axis=1).reshape(
        NW, cpw, IDX_PER_CHUNK
    )

    out = _sc_sum_kernel(total_rows, cpw)(table, gidx)
    return out.reshape(B, N + 1, H)

# --- scband reference (transcript-rebuilt; emitter-appended) ---
"""Pipeline reference for scband-mass-former-graph-node-feature-79293686219473 (READ-ONLY COPY).

The authoritative reference and input builder live on the scoring server;
editing this copy changes nothing except your own understanding.
"""

import jax, jax.numpy as jnp
import numpy as np

B, N, F = 256, 128, 9
H = 768
NUM_ATOMS = 4608
NUM_IN = 512
NUM_OUT = 512
PAD = 0

def setup_inputs(seed: int = 0) -> dict:
    key = jax.random.key(seed)
    ks = jax.random.split(key, 7)
    input_nodes = jax.random.randint(ks[0], (B, N, F), 0, NUM_ATOMS, dtype=jnp.int64) if jax.config.jax_enable_x64 else jax.random.randint(ks[0], (B, N, F), 0, NUM_ATOMS)
    in_degree = jax.random.randint(ks[1], (B, N), 0, NUM_IN)
    out_degree = jax.random.randint(ks[2], (B, N), 0, NUM_OUT)
    atom_table = jax.random.normal(ks[3], (NUM_ATOMS + 1, H), dtype=jnp.float32) * 0.02
    in_table = jax.random.normal(ks[4], (NUM_IN, H), dtype=jnp.float32) * 0.02
    out_table = jax.random.normal(ks[5], (NUM_OUT, H), dtype=jnp.float32) * 0.02
    graph_token = jax.random.normal(ks[6], (1, H), dtype=jnp.float32) * 0.02
    # padding_idx rows are zero, matching nn.Embedding(padding_idx=0)
    atom_table = atom_table.at[PAD].set(0.0)
    in_table = in_table.at[PAD].set(0.0)
    out_table = out_table.at[PAD].set(0.0)
    return {
        "input_nodes": input_nodes,
        "in_degree": in_degree,
        "out_degree": out_degree,
        "atom_table": atom_table,
        "in_table": in_table,
        "out_table": out_table,
        "graph_token": graph_token,
    }


def reference(input_nodes, in_degree, out_degree, atom_table, in_table, out_table, graph_token):
    n_graph = input_nodes.shape[0]
    # atom_encoder(input_nodes).sum(dim=-2)
    atom_feat = jnp.take(atom_table, input_nodes, axis=0).sum(axis=-2)
    node_feature = atom_feat + jnp.take(in_table, in_degree, axis=0) + jnp.take(out_table, out_degree, axis=0)
    # graph_token.weight.unsqueeze(0).repeat(n_graph, 1, 1)
    graph_token_feature = jnp.broadcast_to(graph_token[None, :, :], (n_graph, 1, graph_token.shape[-1]))
    graph_node_feature = jnp.concatenate([graph_token_feature, node_feature], axis=1)
    return graph_node_feature

if __name__ == "__main__":
    import jax
    _d = setup_inputs()
    print(jax.jit(kernel)(*tuple(_d.values())))

</pallas_src>

<mosaic_0001>
#map = affine_map<(d0, d1) -> (0, 0)>
#map1 = affine_map<(d0, d1) -> (0, 0, 0)>
module attributes {stable_mosaic.version = 14 : i64} {
  func.func @k(%arg0: i32, %arg1: i32, %arg2: memref<5634x768xf32, #tpu.memory_space<hbm>>, %arg3: memref<32x129x88xi32, #tpu.memory_space<hbm>>, %arg4: memref<33024x768xf32, #tpu.memory_space<hbm>>, %arg5: memref<129x88xi32, #tpu.memory_space<vmem>>, %arg6: memref<88x768xf32, #tpu.memory_space<vmem>>, %arg7: memref<8x768xf32, #tpu.memory_space<vmem>>, %arg8: memref<!tpu.dma_semaphore, #tpu.memory_space<semaphore_mem>>, %arg9: memref<!tpu.dma_semaphore, #tpu.memory_space<semaphore_mem>>) attributes {dimension_semantics = [#tpu.dimension_semantics<core_parallel>, #tpu.dimension_semantics<subcore_parallel>], iteration_bounds = array<i64: 2, 16>, scalar_prefetch = 0 : i64, scratch_operands = 5 : i64, tpu.core_type = #tpu.core_type<sc_vector_subcore>, window_params = [{transform_indices = #map}, {transform_indices = #map1}, {transform_indices = #map}]} {
    %mul3A = arith.constant 2 : i32
    %mul3A_0 = arith.muli %arg1, %mul3A : i32
    %add3A = arith.addi %mul3A_0, %arg0 : i32
    "tpu.region"() ({
      %run_scoped3A = tpu.sem_alloc : memref<!tpu.dma_semaphore, #tpu.memory_space<semaphore_mem>>
      %dma_start3A = arith.constant 0 : i32
      %dma_start3A_6 = arith.constant 0 : i32
      %dma_start3A_7 = tpu.memref_slice %arg3[%add3A, %dma_start3A, %dma_start3A_6] : memref<32x129x88xi32, #tpu.memory_space<hbm>> -> memref<1x129x88xi32, #tpu.memory_space<hbm>>
      %dma_start3A_8 = tpu.memref_squeeze %dma_start3A_7 : memref<1x129x88xi32, #tpu.memory_space<hbm>> -> memref<129x88xi32, #tpu.memory_space<hbm>>
      %dma_start3A_9 = arith.constant 0 : i32
      %dma_start3A_10 = arith.constant 0 : i32
      %dma_start3A_11 = tpu.memref_slice %arg3[%add3A, %dma_start3A_9, %dma_start3A_10] : memref<32x129x88xi32, #tpu.memory_space<hbm>> -> memref<1x129x88xi32, #tpu.memory_space<hbm>>
      %dma_start3A_12 = tpu.memref_squeeze %dma_start3A_11 : memref<1x129x88xi32, #tpu.memory_space<hbm>> -> memref<129x88xi32, #tpu.memory_space<hbm>>
      tpu.enqueue_dma source(%dma_start3A_12 : memref<129x88xi32, #tpu.memory_space<hbm>>) target(%arg5 : memref<129x88xi32, #tpu.memory_space<vmem>>) target_semaphore(%run_scoped3A : memref<!tpu.dma_semaphore, #tpu.memory_space<semaphore_mem>>)
      %dma_wait3A = arith.constant 0 : i32
      %dma_wait3A_13 = arith.constant 0 : i32
      %dma_wait3A_14 = tpu.memref_slice %arg3[%add3A, %dma_wait3A, %dma_wait3A_13] : memref<32x129x88xi32, #tpu.memory_space<hbm>> -> memref<1x129x88xi32, #tpu.memory_space<hbm>>
      %dma_wait3A_15 = tpu.memref_squeeze %dma_wait3A_14 : memref<1x129x88xi32, #tpu.memory_space<hbm>> -> memref<129x88xi32, #tpu.memory_space<hbm>>
      %dma_wait3A_16 = arith.constant 0 : i32
      %dma_wait3A_17 = arith.constant 0 : i32
      %dma_wait3A_18 = tpu.memref_slice %arg3[%add3A, %dma_wait3A_16, %dma_wait3A_17] : memref<32x129x88xi32, #tpu.memory_space<hbm>> -> memref<1x129x88xi32, #tpu.memory_space<hbm>>
      %dma_wait3A_19 = tpu.memref_squeeze %dma_wait3A_18 : memref<1x129x88xi32, #tpu.memory_space<hbm>> -> memref<129x88xi32, #tpu.memory_space<hbm>>
      tpu.wait_dma2 semaphore(%run_scoped3A : memref<!tpu.dma_semaphore, #tpu.memory_space<semaphore_mem>>) src(%dma_wait3A_19 : memref<129x88xi32, #tpu.memory_space<hbm>>) dst(%arg5 : memref<129x88xi32, #tpu.memory_space<vmem>>)
      tpu.yield
    }) : () -> ()
    %scan3A = arith.constant 0 : i32
    %scan3A_1 = arith.constant 0 : i32
    %scan3A_2 = arith.constant 129 : i32
    %scan3A_3 = arith.addi %scan3A_1, %scan3A_2 : i32
    %scan3A_4 = arith.constant 1 : i32
    scf.for %scan3A_6 = %scan3A_1 to %scan3A_3 step %scan3A_4  : i32 {
      %dma_start3A = arith.constant 0 : i32
      %dma_start3A_7 = tpu.memref_slice %arg5[%scan3A_6, %dma_start3A] : memref<129x88xi32, #tpu.memory_space<vmem>> -> memref<1x88xi32, #tpu.memory_space<vmem>>
      %dma_start3A_8 = tpu.memref_squeeze %dma_start3A_7 : memref<1x88xi32, #tpu.memory_space<vmem>> -> memref<88xi32, #tpu.memory_space<vmem>>
      %dma_start3A_9 = arith.constant 0 : i32
      %dma_start3A_10 = arith.constant 0 : i32
      %dma_start3A_11 = tpu.memref_slice %arg2[%dma_start3A_9, %dma_start3A_10] : memref<5634x768xf32, #tpu.memory_space<hbm>> -> memref<5634x768xf32, #tpu.memory_space<hbm>>
      tpu.enqueue_indirect_dma source(%dma_start3A_11 : memref<5634x768xf32, #tpu.memory_space<hbm>>) target(%arg6 : memref<88x768xf32, #tpu.memory_space<vmem>>) offsets(%dma_start3A_8 : memref<88xi32, #tpu.memory_space<vmem>>) semaphore(%arg8 : memref<!tpu.dma_semaphore, #tpu.memory_space<semaphore_mem>>)
      %dma_wait3A = arith.constant 0 : i32
      %dma_wait3A_12 = tpu.memref_slice %arg5[%scan3A_6, %dma_wait3A] : memref<129x88xi32, #tpu.memory_space<vmem>> -> memref<1x88xi32, #tpu.memory_space<vmem>>
      %dma_wait3A_13 = tpu.memref_squeeze %dma_wait3A_12 : memref<1x88xi32, #tpu.memory_space<vmem>> -> memref<88xi32, #tpu.memory_space<vmem>>
      %dma_wait3A_14 = arith.constant 0 : i32
      %dma_wait3A_15 = arith.constant 0 : i32
      %dma_wait3A_16 = tpu.memref_slice %arg2[%dma_wait3A_14, %dma_wait3A_15] : memref<5634x768xf32, #tpu.memory_space<hbm>> -> memref<5634x768xf32, #tpu.memory_space<hbm>>
      tpu.wait_indirect_dma semaphore(%arg8 : memref<!tpu.dma_semaphore, #tpu.memory_space<semaphore_mem>>) src(%dma_wait3A_16 : memref<5634x768xf32, #tpu.memory_space<hbm>>) dst(%arg6 : memref<88x768xf32, #tpu.memory_space<vmem>>)
      %scan3A_17 = arith.constant 0 : i32
      %scan3A_18 = arith.constant 0 : i32
      %scan3A_19 = arith.constant 48 : i32
      %scan3A_20 = arith.addi %scan3A_18, %scan3A_19 : i32
      %scan3A_21 = arith.constant 1 : i32
      scf.for %scan3A_38 = %scan3A_18 to %scan3A_20 step %scan3A_21  : i32 {
        %mul3A_39 = arith.constant 16 : i32
        %mul3A_40 = arith.muli %scan3A_38, %mul3A_39 : i32
        %get3A = arith.constant 0 : i32
        %get3A_41 = arith.index_cast %get3A : i32 to index
        %get3A_42 = arith.index_cast %mul3A_40 : i32 to index
        %get3A_43 = tpu.vector_load %arg6[%get3A_41, %get3A_42] {strides = array<i32>} : memref<88x768xf32, #tpu.memory_space<vmem>>, vector<1x16xf32>,
        %get3A_44 = vector.shape_cast %get3A_43 : vector<1x16xf32> to vector<16xf32>
        %mul3A_45 = arith.constant 16 : i32
        %mul3A_46 = arith.muli %scan3A_38, %mul3A_45 : i32
        %get3A_47 = arith.constant 1 : i32
        %get3A_48 = arith.index_cast %get3A_47 : i32 to index
        %get3A_49 = arith.index_cast %mul3A_46 : i32 to index
        %get3A_50 = tpu.vector_load %arg6[%get3A_48, %get3A_49] {strides = array<i32>} : memref<88x768xf32, #tpu.memory_space<vmem>>, vector<1x16xf32>,
        %get3A_51 = vector.shape_cast %get3A_50 : vector<1x16xf32> to vector<16xf32>
        %add3A_52 = arith.addf %get3A_44, %get3A_51 : vector<16xf32>
        %mul3A_53 = arith.constant 16 : i32
        %mul3A_54 = arith.muli %scan3A_38, %mul3A_53 : i32
        %get3A_55 = arith.constant 2 : i32
        %get3A_56 = arith.index_cast %get3A_55 : i32 to index
        %get3A_57 = arith.index_cast %mul3A_54 : i32 to index
        %get3A_58 = tpu.vector_load %arg6[%get3A_56, %get3A_57] {strides = array<i32>} : memref<88x768xf32, #tpu.memory_space<vmem>>, vector<1x16xf32>,
        %get3A_59 = vector.shape_cast %get3A_58 : vector<1x16xf32> to vector<16xf32>
        %add3A_60 = arith.addf %add3A_52, %get3A_59 : vector<16xf32>
        %mul3A_61 = arith.constant 16 : i32
        %mul3A_62 = arith.muli %scan3A_38, %mul3A_61 : i32
        %get3A_63 = arith.constant 3 : i32
        %get3A_64 = arith.index_cast %get3A_63 : i32 to index
        %get3A_65 = arith.index_cast %mul3A_62 : i32 to index
        %get3A_66 = tpu.vector_load %arg6[%get3A_64, %get3A_65] {strides = array<i32>} : memref<88x768xf32, #tpu.memory_space<vmem>>, vector<1x16xf32>,
        %get3A_67 = vector.shape_cast %get3A_66 : vector<1x16xf32> to vector<16xf32>
        %add3A_68 = arith.addf %add3A_60, %get3A_67 : vector<16xf32>
        %mul3A_69 = arith.constant 16 : i32
        %mul3A_70 = arith.muli %scan3A_38, %mul3A_69 : i32
        %get3A_71 = arith.constant 4 : i32
        %get3A_72 = arith.index_cast %get3A_71 : i32 to index
        %get3A_73 = arith.index_cast %mul3A_70 : i32 to index
        %get3A_74 = tpu.vector_load %arg6[%get3A_72, %get3A_73] {strides = array<i32>} : memref<88x768xf32, #tpu.memory_space<vmem>>, vector<1x16xf32>,
        %get3A_75 = vector.shape_cast %get3A_74 : vector<1x16xf32> to vector<16xf32>
        %add3A_76 = arith.addf %add3A_68, %get3A_75 : vector<16xf32>
        %mul3A_77 = arith.constant 16 : i32
        %mul3A_78 = arith.muli %scan3A_38, %mul3A_77 : i32
        %get3A_79 = arith.constant 5 : i32
        %get3A_80 = arith.index_cast %get3A_79 : i32 to index
        %get3A_81 = arith.index_cast %mul3A_78 : i32 to index
        %get3A_82 = tpu.vector_load %arg6[%get3A_80, %get3A_81] {strides = array<i32>} : memref<88x768xf32, #tpu.memory_space<vmem>>, vector<1x16xf32>,
        %get3A_83 = vector.shape_cast %get3A_82 : vector<1x16xf32> to vector<16xf32>
        %add3A_84 = arith.addf %add3A_76, %get3A_83 : vector<16xf32>
        %mul3A_85 = arith.constant 16 : i32
        %mul3A_86 = arith.muli %scan3A_38, %mul3A_85 : i32
        %get3A_87 = arith.constant 6 : i32
        %get3A_88 = arith.index_cast %get3A_87 : i32 to index
        %get3A_89 = arith.index_cast %mul3A_86 : i32 to index
        %get3A_90 = tpu.vector_load %arg6[%get3A_88, %get3A_89] {strides = array<i32>} : memref<88x768xf32, #tpu.memory_space<vmem>>, vector<1x16xf32>,
        %get3A_91 = vector.shape_cast %get3A_90 : vector<1x16xf32> to vector<16xf32>
        %add3A_92 = arith.addf %add3A_84, %get3A_91 : vector<16xf32>
        %mul3A_93 = arith.constant 16 : i32
        %mul3A_94 = arith.muli %scan3A_38, %mul3A_93 : i32
        %get3A_95 = arith.constant 7 : i32
        %get3A_96 = arith.index_cast %get3A_95 : i32 to index
        %get3A_97 = arith.index_cast %mul3A_94 : i32 to index
        %get3A_98 = tpu.vector_load %arg6[%get3A_96, %get3A_97] {strides = array<i32>} : memref<88x768xf32, #tpu.memory_space<vmem>>, vector<1x16xf32>,
        %get3A_99 = vector.shape_cast %get3A_98 : vector<1x16xf32> to vector<16xf32>
        %add3A_100 = arith.addf %add3A_92, %get3A_99 : vector<16xf32>
        %mul3A_101 = arith.constant 16 : i32
        %mul3A_102 = arith.muli %scan3A_38, %mul3A_101 : i32
        %get3A_103 = arith.constant 8 : i32
        %get3A_104 = arith.index_cast %get3A_103 : i32 to index
        %get3A_105 = arith.index_cast %mul3A_102 : i32 to index
        %get3A_106 = tpu.vector_load %arg6[%get3A_104, %get3A_105] {strides = array<i32>} : memref<88x768xf32, #tpu.memory_space<vmem>>, vector<1x16xf32>,
        %get3A_107 = vector.shape_cast %get3A_106 : vector<1x16xf32> to vector<16xf32>
        %add3A_108 = arith.addf %add3A_100, %get3A_107 : vector<16xf32>
        %mul3A_109 = arith.constant 16 : i32
        %mul3A_110 = arith.muli %scan3A_38, %mul3A_109 : i32
        %get3A_111 = arith.constant 9 : i32
        %get3A_112 = arith.index_cast %get3A_111 : i32 to index
        %get3A_113 = arith.index_cast %mul3A_110 : i32 to index
        %get3A_114 = tpu.vector_load %arg6[%get3A_112, %get3A_113] {strides = array<i32>} : memref<88x768xf32, #tpu.memory_space<vmem>>, vector<1x16xf32>,
        %get3A_115 = vector.shape_cast %get3A_114 : vector<1x16xf32> to vector<16xf32>
        %add3A_116 = arith.addf %add3A_108, %get3A_115 : vector<16xf32>
        %mul3A_117 = arith.constant 16 : i32
        %mul3A_118 = arith.muli %scan3A_38, %mul3A_117 : i32
        %get3A_119 = arith.constant 10 : i32
        %get3A_120 = arith.index_cast %get3A_119 : i32 to index
        %get3A_121 = arith.index_cast %mul3A_118 : i32 to index
        %get3A_122 = tpu.vector_load %arg6[%get3A_120, %get3A_121] {strides = array<i32>} : memref<88x768xf32, #tpu.memory_space<vmem>>, vector<1x16xf32>,
        %get3A_123 = vector.shape_cast %get3A_122 : vector<1x16xf32> to vector<16xf32>
        %add3A_124 = arith.addf %add3A_116, %get3A_123 : vector<16xf32>
        %mul3A_125 = arith.constant 16 : i32
        %mul3A_126 = arith.muli %scan3A_38, %mul3A_125 : i32
        %swap3A = arith.constant 0 : i32
        %swap3A_127 = arith.index_cast %swap3A : i32 to index
        %swap3A_128 = arith.index_cast %mul3A_126 : i32 to index
        %swap3A_129 = tpu.vector_load %arg7[%swap3A_127, %swap3A_128] {strides = array<i32>} : memref<8x768xf32, #tpu.memory_space<vmem>>, vector<1x16xf32>,
        %swap3A_130 = vector.shape_cast %swap3A_129 : vector<1x16xf32> to vector<16xf32>
        %swap3A_131 = vector.shape_cast %add3A_124 : vector<16xf32> to vector<1x16xf32>
        tpu.vector_store %arg7[%swap3A_127, %swap3A_128], %swap3A_131 {strides = array<i32>} : memref<8x768xf32, #tpu.memory_space<vmem>>, vector<1x16xf32>,
        %mul3A_132 = arith.constant 16 : i32
        %mul3A_133 = arith.muli %scan3A_38, %mul3A_132 : i32
        %get3A_134 = arith.constant 11 : i32
        %get3A_135 = arith.index_cast %get3A_134 : i32 to index
        %get3A_136 = arith.index_cast %mul3A_133 : i32 to index
        %get3A_137 = tpu.vector_load %arg6[%get3A_135, %get3A_136] {strides = array<i32>} : memref<88x768xf32, #tpu.memory_space<vmem>>, vector<1x16xf32>,
        %get3A_138 = vector.shape_cast %get3A_137 : vector<1x16xf32> to vector<16xf32>
        %mul3A_139 = arith.constant 16 : i32
        %mul3A_140 = arith.muli %scan3A_38, %mul3A_139 : i32
        %get3A_141 = arith.constant 12 : i32
        %get3A_142 = arith.index_cast %get3A_141 : i32 to index
        %get3A_143 = arith.index_cast %mul3A_140 : i32 to index
        %get3A_144 = tpu.vector_load %arg6[%get3A_142, %get3A_143] {strides = array<i32>} : memref<88x768xf32, #tpu.memory_space<vmem>>, vector<1x16xf32>,
        %get3A_145 = vector.shape_cast %get3A_144 : vector<1x16xf32> to vector<16xf32>
        %add3A_146 = arith.addf %get3A_138, %get3A_145 : vector<16xf32>
        %mul3A_147 = arith.constant 16 : i32
        %mul3A_148 = arith.muli %scan3A_38, %mul3A_147 : i32
        %get3A_149 = arith.constant 13 : i32
        %get3A_150 = arith.index_cast %get3A_149 : i32 to index
        %get3A_151 = arith.index_cast %mul3A_148 : i32 to index
        %get3A_152 = tpu.vector_load %arg6[%get3A_150, %get3A_151] {strides = array<i32>} : memref<88x768xf32, #tpu.memory_space<vmem>>, vector<1x16xf32>,
        %get3A_153 = vector.shape_cast %get3A_152 : vector<1x16xf32> to vector<16xf32>
        %add3A_154 = arith.addf %add3A_146, %get3A_153 : vector<16xf32>
        %mul3A_155 = arith.constant 16 : i32
        %mul3A_156 = arith.muli %scan3A_38, %mul3A_155 : i32
        %get3A_157 = arith.constant 14 : i32
        %get3A_158 = arith.index_cast %get3A_157 : i32 to index
        %get3A_159 = arith.index_cast %mul3A_156 : i32 to index
        %get3A_160 = tpu.vector_load %arg6[%get3A_158, %get3A_159] {strides = array<i32>} : memref<88x768xf32, #tpu.memory_space<vmem>>, vector<1x16xf32>,
        %get3A_161 = vector.shape_cast %get3A_160 : vector<1x16xf32> to vector<16xf32>
        %add3A_162 = arith.addf %add3A_154, %get3A_161 : vector<16xf32>
        %mul3A_163 = arith.constant 16 : i32
        %mul3A_164 = arith.muli %scan3A_38, %mul3A_163 : i32
        %get3A_165 = arith.constant 15 : i32
        %get3A_166 = arith.index_cast %get3A_165 : i32 to index
        %get3A_167 = arith.index_cast %mul3A_164 : i32 to index
        %get3A_168 = tpu.vector_load %arg6[%get3A_166, %get3A_167] {strides = array<i32>} : memref<88x768xf32, #tpu.memory_space<vmem>>, vector<1x16xf32>,
        %get3A_169 = vector.shape_cast %get3A_168 : vector<1x16xf32> to vector<16xf32>
        %add3A_170 = arith.addf %add3A_162, %get3A_169 : vector<16xf32>
        %mul3A_171 = arith.constant 16 : i32
        %mul3A_172 = arith.muli %scan3A_38, %mul3A_171 : i32
        %get3A_173 = arith.constant 16 : i32
        %get3A_174 = arith.index_cast %get3A_173 : i32 to index
        %get3A_175 = arith.index_cast %mul3A_172 : i32 to index
        %get3A_176 = tpu.vector_load %arg6[%get3A_174, %get3A_175] {strides = array<i32>} : memref<88x768xf32, #tpu.memory_space<vmem>>, vector<1x16xf32>,
        %get3A_177 = vector.shape_cast %get3A_176 : vector<1x16xf32> to vector<16xf32>
        %add3A_178 = arith.addf %add3A_170, %get3A_177 : vector<16xf32>
        %mul3A_179 = arith.constant 16 : i32
        %mul3A_180 = arith.muli %scan3A_38, %mul3A_179 : i32
        %get3A_181 = arith.constant 17 : i32
        %get3A_182 = arith.index_cast %get3A_181 : i32 to index
        %get3A_183 = arith.index_cast %mul3A_180 : i32 to index
        %get3A_184 = tpu.vector_load %arg6[%get3A_182, %get3A_183] {strides = array<i32>} : memref<88x768xf32, #tpu.memory_space<vmem>>, vector<1x16xf32>,
        %get3A_185 = vector.shape_cast %get3A_184 : vector<1x16xf32> to vector<16xf32>
        %add3A_186 = arith.addf %add3A_178, %get3A_185 : vector<16xf32>
        %mul3A_187 = arith.constant 16 : i32
        %mul3A_188 = arith.muli %scan3A_38, %mul3A_187 : i32
        %get3A_189 = arith.constant 18 : i32
        %get3A_190 = arith.index_cast %get3A_189 : i32 to index
        %get3A_191 = arith.index_cast %mul3A_188 : i32 to index
        %get3A_192 = tpu.vector_load %arg6[%get3A_190, %get3A_191] {strides = array<i32>} : memref<88x768xf32, #tpu.memory_space<vmem>>, vector<1x16xf32>,
        %get3A_193 = vector.shape_cast %get3A_192 : vector<1x16xf32> to vector<16xf32>
        %add3A_194 = arith.addf %add3A_186, %get3A_193 : vector<16xf32>
        %mul3A_195 = arith.constant 16 : i32
        %mul3A_196 = arith.muli %scan3A_38, %mul3A_195 : i32
        %get3A_197 = arith.constant 19 : i32
        %get3A_198 = arith.index_cast %get3A_197 : i32 to index
        %get3A_199 = arith.index_cast %mul3A_196 : i32 to index
        %get3A_200 = tpu.vector_load %arg6[%get3A_198, %get3A_199] {strides = array<i32>} : memref<88x768xf32, #tpu.memory_space<vmem>>, vector<1x16xf32>,
        %get3A_201 = vector.shape_cast %get3A_200 : vector<1x16xf32> to vector<16xf32>
        %add3A_202 = arith.addf %add3A_194, %get3A_201 : vector<16xf32>
        %mul3A_203 = arith.constant 16 : i32
        %mul3A_204 = arith.muli %scan3A_38, %mul3A_203 : i32
        %get3A_205 = arith.constant 20 : i32
        %get3A_206 = arith.index_cast %get3A_205 : i32 to index
        %get3A_207 = arith.index_cast %mul3A_204 : i32 to index
        %get3A_208 = tpu.vector_load %arg6[%get3A_206, %get3A_207] {strides = array<i32>} : memref<88x768xf32, #tpu.memory_space<vmem>>, vector<1x16xf32>,
        %get3A_209 = vector.shape_cast %get3A_208 : vector<1x16xf32> to vector<16xf32>
        %add3A_210 = arith.addf %add3A_202, %get3A_209 : vector<16xf32>
        %mul3A_211 = arith.constant 16 : i32
        %mul3A_212 = arith.muli %scan3A_38, %mul3A_211 : i32
        %get3A_213 = arith.constant 21 : i32
        %get3A_214 = arith.index_cast %get3A_213 : i32 to index
        %get3A_215 = arith.index_cast %mul3A_212 : i32 to index
        %get3A_216 = tpu.vector_load %arg6[%get3A_214, %get3A_215] {strides = array<i32>} : memref<88x768xf32, #tpu.memory_space<vmem>>, vector<1x16xf32>,
        %get3A_217 = vector.shape_cast %get3A_216 : vector<1x16xf32> to vector<16xf32>
        %add3A_218 = arith.addf %add3A_210, %get3A_217 : vector<16xf32>
        %mul3A_219 = arith.constant 16 : i32
        %mul3A_220 = arith.muli %scan3A_38, %mul3A_219 : i32
        %swap3A_221 = arith.constant 1 : i32
        %swap3A_222 = arith.index_cast %swap3A_221 : i32 to index
        %swap3A_223 = arith.index_cast %mul3A_220 : i32 to index
        %swap3A_224 = tpu.vector_load %arg7[%swap3A_222, %swap3A_223] {strides = array<i32>} : memref<8x768xf32, #tpu.memory_space<vmem>>, vector<1x16xf32>,
        %swap3A_225 = vector.shape_cast %swap3A_224 : vector<1x16xf32> to vector<16xf32>
        %swap3A_226 = vector.shape_cast %add3A_218 : vector<16xf32> to vector<1x16xf32>
        tpu.vector_store %arg7[%swap3A_222, %swap3A_223], %swap3A_226 {strides = array<i32>} : memref<8x768xf32, #tpu.memory_space<vmem>>, vector<1x16xf32>,
        %mul3A_227 = arith.constant 16 : i32
        %mul3A_228 = arith.muli %scan3A_38, %mul3A_227 : i32
        %get3A_229 = arith.constant 22 : i32
        %get3A_230 = arith.index_cast %get3A_229 : i32 to index
        %get3A_231 = arith.index_cast %mul3A_228 : i32 to index
        %get3A_232 = tpu.vector_load %arg6[%get3A_230, %get3A_231] {strides = array<i32>} : memref<88x768xf32, #tpu.memory_space<vmem>>, vector<1x16xf32>,
        %get3A_233 = vector.shape_cast %get3A_232 : vector<1x16xf32> to vector<16xf32>
        %mul3A_234 = arith.constant 16 : i32
        %mul3A_235 = arith.muli %scan3A_38, %mul3A_234 : i32
        %get3A_236 = arith.constant 23 : i32
        %get3A_237 = arith.index_cast %get3A_236 : i32 to index
        %get3A_238 = arith.index_cast %mul3A_235 : i32 to index
        %get3A_239 = tpu.vector_load %arg6[%get3A_237, %get3A_238] {strides = array<i32>} : memref<88x768xf32, #tpu.memory_space<vmem>>, vector<1x16xf32>,
        %get3A_240 = vector.shape_cast %get3A_239 : vector<1x16xf32> to vector<16xf32>
        %add3A_241 = arith.addf %get3A_233, %get3A_240 : vector<16xf32>
        %mul3A_242 = arith.constant 16 : i32
        %mul3A_243 = arith.muli %scan3A_38, %mul3A_242 : i32
        %get3A_244 = arith.constant 24 : i32
        %get3A_245 = arith.index_cast %get3A_244 : i32 to index
        %get3A_246 = arith.index_cast %mul3A_243 : i32 to index
        %get3A_247 = tpu.vector_load %arg6[%get3A_245, %get3A_246] {strides = array<i32>} : memref<88x768xf32, #tpu.memory_space<vmem>>, vector<1x16xf32>,
        %get3A_248 = vector.shape_cast %get3A_247 : vector<1x16xf32> to vector<16xf32>
        %add3A_249 = arith.addf %add3A_241, %get3A_248 : vector<16xf32>
        %mul3A_250 = arith.constant 16 : i32
        %mul3A_251 = arith.muli %scan3A_38, %mul3A_250 : i32
        %get3A_252 = arith.constant 25 : i32
        %get3A_253 = arith.index_cast %get3A_252 : i32 to index
        %get3A_254 = arith.index_cast %mul3A_251 : i32 to index
        %get3A_255 = tpu.vector_load %arg6[%get3A_253, %get3A_254] {strides = array<i32>} : memref<88x768xf32, #tpu.memory_space<vmem>>, vector<1x16xf32>,
        %get3A_256 = vector.shape_cast %get3A_255 : vector<1x16xf32> to vector<16xf32>
        %add3A_257 = arith.addf %add3A_249, %get3A_256 : vector<16xf32>
        %mul3A_258 = arith.constant 16 : i32
        %mul3A_259 = arith.muli %scan3A_38, %mul3A_258 : i32
        %get3A_260 = arith.constant 26 : i32
        %get3A_261 = arith.index_cast %get3A_260 : i32 to index
        %get3A_262 = arith.index_cast %mul3A_259 : i32 to index
        %get3A_263 = tpu.vector_load %arg6[%get3A_261, %get3A_262] {strides = array<i32>} : memref<88x768xf32, #tpu.memory_space<vmem>>, vector<1x16xf32>,
        %get3A_264 = vector.shape_cast %get3A_263 : vector<1x16xf32> to vector<16xf32>
        %add3A_265 = arith.addf %add3A_257, %get3A_264 : vector<16xf32>
        %mul3A_266 = arith.constant 16 : i32
        %mul3A_267 = arith.muli %scan3A_38, %mul3A_266 : i32
        %get3A_268 = arith.constant 27 : i32
        %get3A_269 = arith.index_cast %get3A_268 : i32 to index
        %get3A_270 = arith.index_cast %mul3A_267 : i32 to index
        %get3A_271 = tpu.vector_load %arg6[%get3A_269, %get3A_270] {strides = array<i32>} : memref<88x768xf32, #tpu.memory_space<vmem>>, vector<1x16xf32>,
        %get3A_272 = vector.shape_cast %get3A_271 : vector<1x16xf32> to vector<16xf32>
        %add3A_273 = arith.addf %add3A_265, %get3A_272 : vector<16xf32>
        %mul3A_274 = arith.constant 16 : i32
        %mul3A_275 = arith.muli %scan3A_38, %mul3A_274 : i32
        %get3A_276 = arith.constant 28 : i32
        %get3A_277 = arith.index_cast %get3A_276 : i32 to index
        %get3A_278 = arith.index_cast %mul3A_275 : i32 to index
        %get3A_279 = tpu.vector_load %arg6[%get3A_277, %get3A_278] {strides = array<i32>} : memref<88x768xf32, #tpu.memory_space<vmem>>, vector<1x16xf32>,
        %get3A_280 = vector.shape_cast %get3A_279 : vector<1x16xf32> to vector<16xf32>
        %add3A_281 = arith.addf %add3A_273, %get3A_280 : vector<16xf32>
        %mul3A_282 = arith.constant 16 : i32
        %mul3A_283 = arith.muli %scan3A_38, %mul3A_282 : i32
        %get3A_284 = arith.constant 29 : i32
        %get3A_285 = arith.index_cast %get3A_284 : i32 to index
        %get3A_286 = arith.index_cast %mul3A_283 : i32 to index
        %get3A_287 = tpu.vector_load %arg6[%get3A_285, %get3A_286] {strides = array<i32>} : memref<88x768xf32, #tpu.memory_space<vmem>>, vector<1x16xf32>,
        %get3A_288 = vector.shape_cast %get3A_287 : vector<1x16xf32> to vector<16xf32>
        %add3A_289 = arith.addf %add3A_281, %get3A_288 : vector<16xf32>
        %mul3A_290 = arith.constant 16 : i32
        %mul3A_291 = arith.muli %scan3A_38, %mul3A_290 : i32
        %get3A_292 = arith.constant 30 : i32
        %get3A_293 = arith.index_cast %get3A_292 : i32 to index
        %get3A_294 = arith.index_cast %mul3A_291 : i32 to index
        %get3A_295 = tpu.vector_load %arg6[%get3A_293, %get3A_294] {strides = array<i32>} : memref<88x768xf32, #tpu.memory_space<vmem>>, vector<1x16xf32>,
        %get3A_296 = vector.shape_cast %get3A_295 : vector<1x16xf32> to vector<16xf32>
        %add3A_297 = arith.addf %add3A_289, %get3A_296 : vector<16xf32>
        %mul3A_298 = arith.constant 16 : i32
        %mul3A_299 = arith.muli %scan3A_38, %mul3A_298 : i32
        %get3A_300 = arith.constant 31 : i32
        %get3A_301 = arith.index_cast %get3A_300 : i32 to index
        %get3A_302 = arith.index_cast %mul3A_299 : i32 to index
        %get3A_303 = tpu.vector_load %arg6[%get3A_301, %get3A_302] {strides = array<i32>} : memref<88x768xf32, #tpu.memory_space<vmem>>, vector<1x16xf32>,
        %get3A_304 = vector.shape_cast %get3A_303 : vector<1x16xf32> to vector<16xf32>
        %add3A_305 = arith.addf %add3A_297, %get3A_304 : vector<16xf32>
        %mul3A_306 = arith.constant 16 : i32
        %mul3A_307 = arith.muli %scan3A_38, %mul3A_306 : i32
        %get3A_308 = arith.constant 32 : i32
        %get3A_309 = arith.index_cast %get3A_308 : i32 to index
        %get3A_310 = arith.index_cast %mul3A_307 : i32 to index
        %get3A_311 = tpu.vector_load %arg6[%get3A_309, %get3A_310] {strides = array<i32>} : memref<88x768xf32, #tpu.memory_space<vmem>>, vector<1x16xf32>,
        %get3A_312 = vector.shape_cast %get3A_311 : vector<1x16xf32> to vector<16xf32>
        %add3A_313 = arith.addf %add3A_305, %get3A_312 : vector<16xf32>
        %mul3A_314 = arith.constant 16 : i32
        %mul3A_315 = arith.muli %scan3A_38, %mul3A_314 : i32
        %swap3A_316 = arith.constant 2 : i32
        %swap3A_317 = arith.index_cast %swap3A_316 : i32 to index
        %swap3A_318 = arith.index_cast %mul3A_315 : i32 to index
        %swap3A_319 = tpu.vector_load %arg7[%swap3A_317, %swap3A_318] {strides = array<i32>} : memref<8x768xf32, #tpu.memory_space<vmem>>, vector<1x16xf32>,
        %swap3A_320 = vector.shape_cast %swap3A_319 : vector<1x16xf32> to vector<16xf32>
        %swap3A_321 = vector.shape_cast %add3A_313 : vector<16xf32> to vector<1x16xf32>
        tpu.vector_store %arg7[%swap3A_317, %swap3A_318], %swap3A_321 {strides = array<i32>} : memref<8x768xf32, #tpu.memory_space<vmem>>, vector<1x16xf32>,
        %mul3A_322 = arith.constant 16 : i32
        %mul3A_323 = arith.muli %scan3A_38, %mul3A_322 : i32
        %get3A_324 = arith.constant 33 : i32
        %get3A_325 = arith.index_cast %get3A_324 : i32 to index
        %get3A_326 = arith.index_cast %mul3A_323 : i32 to index
        %get3A_327 = tpu.vector_load %arg6[%get3A_325, %get3A_326] {strides = array<i32>} : memref<88x768xf32, #tpu.memory_space<vmem>>, vector<1x16xf32>,
        %get3A_328 = vector.shape_cast %get3A_327 : vector<1x16xf32> to vector<16xf32>
        %mul3A_329 = arith.constant 16 : i32
        %mul3A_330 = arith.muli %scan3A_38, %mul3A_329 : i32
        %get3A_331 = arith.constant 34 : i32
        %get3A_332 = arith.index_cast %get3A_331 : i32 to index
        %get3A_333 = arith.index_cast %mul3A_330 : i32 to index
        %get3A_334 = tpu.vector_load %arg6[%get3A_332, %get3A_333] {strides = array<i32>} : memref<88x768xf32, #tpu.memory_space<vmem>>, vector<1x16xf32>,
        %get3A_335 = vector.shape_cast %get3A_334 : vector<1x16xf32> to vector<16xf32>
        %add3A_336 = arith.addf %get3A_328, %get3A_335 : vector<16xf32>
        %mul3A_337 = arith.constant 16 : i32
        %mul3A_338 = arith.muli %scan3A_38, %mul3A_337 : i32
        %get3A_339 = arith.constant 35 : i32
        %get3A_340 = arith.index_cast %get3A_339 : i32 to index
        %get3A_341 = arith.index_cast %mul3A_338 : i32 to index
        %get3A_342 = tpu.vector_load %arg6[%get3A_340, %get3A_341] {strides = array<i32>} : memref<88x768xf32, #tpu.memory_space<vmem>>, vector<1x16xf32>,
        %get3A_343 = vector.shape_cast %get3A_342 : vector<1x16xf32> to vector<16xf32>
        %add3A_344 = arith.addf %add3A_336, %get3A_343 : vector<16xf32>
        %mul3A_345 = arith.constant 16 : i32
        %mul3A_346 = arith.muli %scan3A_38, %mul3A_345 : i32
        %get3A_347 = arith.constant 36 : i32
        %get3A_348 = arith.index_cast %get3A_347 : i32 to index
        %get3A_349 = arith.index_cast %mul3A_346 : i32 to index
        %get3A_350 = tpu.vector_load %arg6[%get3A_348, %get3A_349] {strides = array<i32>} : memref<88x768xf32, #tpu.memory_space<vmem>>, vector<1x16xf32>,
        %get3A_351 = vector.shape_cast %get3A_350 : vector<1x16xf32> to vector<16xf32>
        %add3A_352 = arith.addf %add3A_344, %get3A_351 : vector<16xf32>
        %mul3A_353 = arith.constant 16 : i32
        %mul3A_354 = arith.muli %scan3A_38, %mul3A_353 : i32
        %get3A_355 = arith.constant 37 : i32
        %get3A_356 = arith.index_cast %get3A_355 : i32 to index
        %get3A_357 = arith.index_cast %mul3A_354 : i32 to index
        %get3A_358 = tpu.vector_load %arg6[%get3A_356, %get3A_357] {strides = array<i32>} : memref<88x768xf32, #tpu.memory_space<vmem>>, vector<1x16xf32>,
        %get3A_359 = vector.shape_cast %get3A_358 : vector<1x16xf32> to vector<16xf32>
        %add3A_360 = arith.addf %add3A_352, %get3A_359 : vector<16xf32>
        %mul3A_361 = arith.constant 16 : i32
        %mul3A_362 = arith.muli %scan3A_38, %mul3A_361 : i32
        %get3A_363 = arith.constant 38 : i32
        %get3A_364 = arith.index_cast %get3A_363 : i32 to index
        %get3A_365 = arith.index_cast %mul3A_362 : i32 to index
        %get3A_366 = tpu.vector_load %arg6[%get3A_364, %get3A_365] {strides = array<i32>} : memref<88x768xf32, #tpu.memory_space<vmem>>, vector<1x16xf32>,
        %get3A_367 = vector.shape_cast %get3A_366 : vector<1x16xf32> to vector<16xf32>
        %add3A_368 = arith.addf %add3A_360, %get3A_367 : vector<16xf32>
        %mul3A_369 = arith.constant 16 : i32
        %mul3A_370 = arith.muli %scan3A_38, %mul3A_369 : i32
        %get3A_371 = arith.constant 39 : i32
        %get3A_372 = arith.index_cast %get3A_371 : i32 to index
        %get3A_373 = arith.index_cast %mul3A_370 : i32 to index
        %get3A_374 = tpu.vector_load %arg6[%get3A_372, %get3A_373] {strides = array<i32>} : memref<88x768xf32, #tpu.memory_space<vmem>>, vector<1x16xf32>,
        %get3A_375 = vector.shape_cast %get3A_374 : vector<1x16xf32> to vector<16xf32>
        %add3A_376 = arith.addf %add3A_368, %get3A_375 : vector<16xf32>
        %mul3A_377 = arith.constant 16 : i32
        %mul3A_378 = arith.muli %scan3A_38, %mul3A_377 : i32
        %get3A_379 = arith.constant 40 : i32
        %get3A_380 = arith.index_cast %get3A_379 : i32 to index
        %get3A_381 = arith.index_cast %mul3A_378 : i32 to index
        %get3A_382 = tpu.vector_load %arg6[%get3A_380, %get3A_381] {strides = array<i32>} : memref<88x768xf32, #tpu.memory_space<vmem>>, vector<1x16xf32>,
        %get3A_383 = vector.shape_cast %get3A_382 : vector<1x16xf32> to vector<16xf32>
        %add3A_384 = arith.addf %add3A_376, %get3A_383 : vector<16xf32>
        %mul3A_385 = arith.constant 16 : i32
        %mul3A_386 = arith.muli %scan3A_38, %mul3A_385 : i32
        %get3A_387 = arith.constant 41 : i32
        %get3A_388 = arith.index_cast %get3A_387 : i32 to index
        %get3A_389 = arith.index_cast %mul3A_386 : i32 to index
        %get3A_390 = tpu.vector_load %arg6[%get3A_388, %get3A_389] {strides = array<i32>} : memref<88x768xf32, #tpu.memory_space<vmem>>, vector<1x16xf32>,
        %get3A_391 = vector.shape_cast %get3A_390 : vector<1x16xf32> to vector<16xf32>
        %add3A_392 = arith.addf %add3A_384, %get3A_391 : vector<16xf32>
        %mul3A_393 = arith.constant 16 : i32
        %mul3A_394 = arith.muli %scan3A_38, %mul3A_393 : i32
        %get3A_395 = arith.constant 42 : i32
        %get3A_396 = arith.index_cast %get3A_395 : i32 to index
        %get3A_397 = arith.index_cast %mul3A_394 : i32 to index
        %get3A_398 = tpu.vector_load %arg6[%get3A_396, %get3A_397] {strides = array<i32>} : memref<88x768xf32, #tpu.memory_space<vmem>>, vector<1x16xf32>,
        %get3A_399 = vector.shape_cast %get3A_398 : vector<1x16xf32> to vector<16xf32>
        %add3A_400 = arith.addf %add3A_392, %get3A_399 : vector<16xf32>
        %mul3A_401 = arith.constant 16 : i32
        %mul3A_402 = arith.muli %scan3A_38, %mul3A_401 : i32
        %get3A_403 = arith.constant 43 : i32
        %get3A_404 = arith.index_cast %get3A_403 : i32 to index
        %get3A_405 = arith.index_cast %mul3A_402 : i32 to index
        %get3A_406 = tpu.vector_load %arg6[%get3A_404, %get3A_405] {strides = array<i32>} : memref<88x768xf32, #tpu.memory_space<vmem>>, vector<1x16xf32>,
        %get3A_407 = vector.shape_cast %get3A_406 : vector<1x16xf32> to vector<16xf32>
        %add3A_408 = arith.addf %add3A_400, %get3A_407 : vector<16xf32>
        %mul3A_409 = arith.constant 16 : i32
        %mul3A_410 = arith.muli %scan3A_38, %mul3A_409 : i32
        %swap3A_411 = arith.constant 3 : i32
        %swap3A_412 = arith.index_cast %swap3A_411 : i32 to index
        %swap3A_413 = arith.index_cast %mul3A_410 : i32 to index
        %swap3A_414 = tpu.vector_load %arg7[%swap3A_412, %swap3A_413] {strides = array<i32>} : memref<8x768xf32, #tpu.memory_space<vmem>>, vector<1x16xf32>,
        %swap3A_415 = vector.shape_cast %swap3A_414 : vector<1x16xf32> to vector<16xf32>
        %swap3A_416 = vector.shape_cast %add3A_408 : vector<16xf32> to vector<1x16xf32>
        tpu.vector_store %arg7[%swap3A_412, %swap3A_413], %swap3A_416 {strides = array<i32>} : memref<8x768xf32, #tpu.memory_space<vmem>>, vector<1x16xf32>,
        %mul3A_417 = arith.constant 16 : i32
        %mul3A_418 = arith.muli %scan3A_38, %mul3A_417 : i32
        %get3A_419 = arith.constant 44 : i32
        %get3A_420 = arith.index_cast %get3A_419 : i32 to index
        %get3A_421 = arith.index_cast %mul3A_418 : i32 to index
        %get3A_422 = tpu.vector_load %arg6[%get3A_420, %get3A_421] {strides = array<i32>} : memref<88x768xf32, #tpu.memory_space<vmem>>, vector<1x16xf32>,
        %get3A_423 = vector.shape_cast %get3A_422 : vector<1x16xf32> to vector<16xf32>
        %mul3A_424 = arith.constant 16 : i32
        %mul3A_425 = arith.muli %scan3A_38, %mul3A_424 : i32
        %get3A_426 = arith.constant 45 : i32
        %get3A_427 = arith.index_cast %get3A_426 : i32 to index
        %get3A_428 = arith.index_cast %mul3A_425 : i32 to index
        %get3A_429 = tpu.vector_load %arg6[%get3A_427, %get3A_428] {strides = array<i32>} : memref<88x768xf32, #tpu.memory_space<vmem>>, vector<1x16xf32>,
        %get3A_430 = vector.shape_cast %get3A_429 : vector<1x16xf32> to vector<16xf32>
        %add3A_431 = arith.addf %get3A_423, %get3A_430 : vector<16xf32>
        %mul3A_432 = arith.constant 16 : i32
        %mul3A_433 = arith.muli %scan3A_38, %mul3A_432 : i32
        %get3A_434 = arith.constant 46 : i32
        %get3A_435 = arith.index_cast %get3A_434 : i32 to index
        %get3A_436 = arith.index_cast %mul3A_433 : i32 to index
        %get3A_437 = tpu.vector_load %arg6[%get3A_435, %get3A_436] {strides = array<i32>} : memref<88x768xf32, #tpu.memory_space<vmem>>, vector<1x16xf32>,
        %get3A_438 = vector.shape_cast %get3A_437 : vector<1x16xf32> to vector<16xf32>
        %add3A_439 = arith.addf %add3A_431, %get3A_438 : vector<16xf32>
        %mul3A_440 = arith.constant 16 : i32
        %mul3A_441 = arith.muli %scan3A_38, %mul3A_440 : i32
        %get3A_442 = arith.constant 47 : i32
        %get3A_443 = arith.index_cast %get3A_442 : i32 to index
        %get3A_444 = arith.index_cast %mul3A_441 : i32 to index
        %get3A_445 = tpu.vector_load %arg6[%get3A_443, %get3A_444] {strides = array<i32>} : memref<88x768xf32, #tpu.memory_space<vmem>>, vector<1x16xf32>,
        %get3A_446 = vector.shape_cast %get3A_445 : vector<1x16xf32> to vector<16xf32>
        %add3A_447 = arith.addf %add3A_439, %get3A_446 : vector<16xf32>
        %mul3A_448 = arith.constant 16 : i32
        %mul3A_449 = arith.muli %scan3A_38, %mul3A_448 : i32
        %get3A_450 = arith.constant 48 : i32
        %get3A_451 = arith.index_cast %get3A_450 : i32 to index
        %get3A_452 = arith.index_cast %mul3A_449 : i32 to index
        %get3A_453 = tpu.vector_load %arg6[%get3A_451, %get3A_452] {strides = array<i32>} : memref<88x768xf32, #tpu.memory_space<vmem>>, vector<1x16xf32>,
        %get3A_454 = vector.shape_cast %get3A_453 : vector<1x16xf32> to vector<16xf32>
        %add3A_455 = arith.addf %add3A_447, %get3A_454 : vector<16xf32>
        %mul3A_456 = arith.constant 16 : i32
        %mul3A_457 = arith.muli %scan3A_38, %mul3A_456 : i32
        %get3A_458 = arith.constant 49 : i32
        %get3A_459 = arith.index_cast %get3A_458 : i32 to index
        %get3A_460 = arith.index_cast %mul3A_457 : i32 to index
        %get3A_461 = tpu.vector_load %arg6[%get3A_459, %get3A_460] {strides = array<i32>} : memref<88x768xf32, #tpu.memory_space<vmem>>, vector<1x16xf32>,
        %get3A_462 = vector.shape_cast %get3A_461 : vector<1x16xf32> to vector<16xf32>
        %add3A_463 = arith.addf %add3A_455, %get3A_462 : vector<16xf32>
        %mul3A_464 = arith.constant 16 : i32
        %mul3A_465 = arith.muli %scan3A_38, %mul3A_464 : i32
        %get3A_466 = arith.constant 50 : i32
        %get3A_467 = arith.index_cast %get3A_466 : i32 to index
        %get3A_468 = arith.index_cast %mul3A_465 : i32 to index
        %get3A_469 = tpu.vector_load %arg6[%get3A_467, %get3A_468] {strides = array<i32>} : memref<88x768xf32, #tpu.memory_space<vmem>>, vector<1x16xf32>,
        %get3A_470 = vector.shape_cast %get3A_469 : vector<1x16xf32> to vector<16xf32>
        %add3A_471 = arith.addf %add3A_463, %get3A_470 : vector<16xf32>
        %mul3A_472 = arith.constant 16 : i32
        %mul3A_473 = arith.muli %scan3A_38, %mul3A_472 : i32
        %get3A_474 = arith.constant 51 : i32
        %get3A_475 = arith.index_cast %get3A_474 : i32 to index
        %get3A_476 = arith.index_cast %mul3A_473 : i32 to index
        %get3A_477 = tpu.vector_load %arg6[%get3A_475, %get3A_476] {strides = array<i32>} : memref<88x768xf32, #tpu.memory_space<vmem>>, vector<1x16xf32>,
        %get3A_478 = vector.shape_cast %get3A_477 : vector<1x16xf32> to vector<16xf32>
        %add3A_479 = arith.addf %add3A_471, %get3A_478 : vector<16xf32>
        %mul3A_480 = arith.constant 16 : i32
        %mul3A_481 = arith.muli %scan3A_38, %mul3A_480 : i32
        %get3A_482 = arith.constant 52 : i32
        %get3A_483 = arith.index_cast %get3A_482 : i32 to index
        %get3A_484 = arith.index_cast %mul3A_481 : i32 to index
        %get3A_485 = tpu.vector_load %arg6[%get3A_483, %get3A_484] {strides = array<i32>} : memref<88x768xf32, #tpu.memory_space<vmem>>, vector<1x16xf32>,
        %get3A_486 = vector.shape_cast %get3A_485 : vector<1x16xf32> to vector<16xf32>
        %add3A_487 = arith.addf %add3A_479, %get3A_486 : vector<16xf32>
        %mul3A_488 = arith.constant 16 : i32
        %mul3A_489 = arith.muli %scan3A_38, %mul3A_488 : i32
        %get3A_490 = arith.constant 53 : i32
        %get3A_491 = arith.index_cast %get3A_490 : i32 to index
        %get3A_492 = arith.index_cast %mul3A_489 : i32 to index
        %get3A_493 = tpu.vector_load %arg6[%get3A_491, %get3A_492] {strides = array<i32>} : memref<88x768xf32, #tpu.memory_space<vmem>>, vector<1x16xf32>,
        %get3A_494 = vector.shape_cast %get3A_493 : vector<1x16xf32> to vector<16xf32>
        %add3A_495 = arith.addf %add3A_487, %get3A_494 : vector<16xf32>
        %mul3A_496 = arith.constant 16 : i32
        %mul3A_497 = arith.muli %scan3A_38, %mul3A_496 : i32
        %get3A_498 = arith.constant 54 : i32
        %get3A_499 = arith.index_cast %get3A_498 : i32 to index
        %get3A_500 = arith.index_cast %mul3A_497 : i32 to index
        %get3A_501 = tpu.vector_load %arg6[%get3A_499, %get3A_500] {strides = array<i32>} : memref<88x768xf32, #tpu.memory_space<vmem>>, vector<1x16xf32>,
        %get3A_502 = vector.shape_cast %get3A_501 : vector<1x16xf32> to vector<16xf32>
        %add3A_503 = arith.addf %add3A_495, %get3A_502 : vector<16xf32>
        %mul3A_504 = arith.constant 16 : i32
        %mul3A_505 = arith.muli %scan3A_38, %mul3A_504 : i32
        %swap3A_506 = arith.constant 4 : i32
        %swap3A_507 = arith.index_cast %swap3A_506 : i32 to index
        %swap3A_508 = arith.index_cast %mul3A_505 : i32 to index
        %swap3A_509 = tpu.vector_load %arg7[%swap3A_507, %swap3A_508] {strides = array<i32>} : memref<8x768xf32, #tpu.memory_space<vmem>>, vector<1x16xf32>,
        %swap3A_510 = vector.shape_cast %swap3A_509 : vector<1x16xf32> to vector<16xf32>
        %swap3A_511 = vector.shape_cast %add3A_503 : vector<16xf32> to vector<1x16xf32>
        tpu.vector_store %arg7[%swap3A_507, %swap3A_508], %swap3A_511 {strides = array<i32>} : memref<8x768xf32, #tpu.memory_space<vmem>>, vector<1x16xf32>,
        %mul3A_512 = arith.constant 16 : i32
        %mul3A_513 = arith.muli %scan3A_38, %mul3A_512 : i32
        %get3A_514 = arith.constant 55 : i32
        %get3A_515 = arith.index_cast %get3A_514 : i32 to index
        %get3A_516 = arith.index_cast %mul3A_513 : i32 to index
        %get3A_517 = tpu.vector_load %arg6[%get3A_515, %get3A_516] {strides = array<i32>} : memref<88x768xf32, #tpu.memory_space<vmem>>, vector<1x16xf32>,
        %get3A_518 = vector.shape_cast %get3A_517 : vector<1x16xf32> to vector<16xf32>
        %mul3A_519 = arith.constant 16 : i32
        %mul3A_520 = arith.muli %scan3A_38, %mul3A_519 : i32
        %get3A_521 = arith.constant 56 : i32
        %get3A_522 = arith.index_cast %get3A_521 : i32 to index
        %get3A_523 = arith.index_cast %mul3A_520 : i32 to index
        %get3A_524 = tpu.vector_load %arg6[%get3A_522, %get3A_523] {strides = array<i32>} : memref<88x768xf32, #tpu.memory_space<vmem>>, vector<1x16xf32>,
        %get3A_525 = vector.shape_cast %get3A_524 : vector<1x16xf32> to vector<16xf32>
        %add3A_526 = arith.addf %get3A_518, %get3A_525 : vector<16xf32>
        %mul3A_527 = arith.constant 16 : i32
        %mul3A_528 = arith.muli %scan3A_38, %mul3A_527 : i32
        %get3A_529 = arith.constant 57 : i32
        %get3A_530 = arith.index_cast %get3A_529 : i32 to index
        %get3A_531 = arith.index_cast %mul3A_528 : i32 to index
        %get3A_532 = tpu.vector_load %arg6[%get3A_530, %get3A_531] {strides = array<i32>} : memref<88x768xf32, #tpu.memory_space<vmem>>, vector<1x16xf32>,
        %get3A_533 = vector.shape_cast %get3A_532 : vector<1x16xf32> to vector<16xf32>
        %add3A_534 = arith.addf %add3A_526, %get3A_533 : vector<16xf32>
        %mul3A_535 = arith.constant 16 : i32
        %mul3A_536 = arith.muli %scan3A_38, %mul3A_535 : i32
        %get3A_537 = arith.constant 58 : i32
        %get3A_538 = arith.index_cast %get3A_537 : i32 to index
        %get3A_539 = arith.index_cast %mul3A_536 : i32 to index
        %get3A_540 = tpu.vector_load %arg6[%get3A_538, %get3A_539] {strides = array<i32>} : memref<88x768xf32, #tpu.memory_space<vmem>>, vector<1x16xf32>,
        %get3A_541 = vector.shape_cast %get3A_540 : vector<1x16xf32> to vector<16xf32>
        %add3A_542 = arith.addf %add3A_534, %get3A_541 : vector<16xf32>
        %mul3A_543 = arith.constant 16 : i32
        %mul3A_544 = arith.muli %scan3A_38, %mul3A_543 : i32
        %get3A_545 = arith.constant 59 : i32
        %get3A_546 = arith.index_cast %get3A_545 : i32 to index
        %get3A_547 = arith.index_cast %mul3A_544 : i32 to index
        %get3A_548 = tpu.vector_load %arg6[%get3A_546, %get3A_547] {strides = array<i32>} : memref<88x768xf32, #tpu.memory_space<vmem>>, vector<1x16xf32>,
        %get3A_549 = vector.shape_cast %get3A_548 : vector<1x16xf32> to vector<16xf32>
        %add3A_550 = arith.addf %add3A_542, %get3A_549 : vector<16xf32>
        %mul3A_551 = arith.constant 16 : i32
        %mul3A_552 = arith.muli %scan3A_38, %mul3A_551 : i32
        %get3A_553 = arith.constant 60 : i32
        %get3A_554 = arith.index_cast %get3A_553 : i32 to index
        %get3A_555 = arith.index_cast %mul3A_552 : i32 to index
        %get3A_556 = tpu.vector_load %arg6[%get3A_554, %get3A_555] {strides = array<i32>} : memref<88x768xf32, #tpu.memory_space<vmem>>, vector<1x16xf32>,
        %get3A_557 = vector.shape_cast %get3A_556 : vector<1x16xf32> to vector<16xf32>
        %add3A_558 = arith.addf %add3A_550, %get3A_557 : vector<16xf32>
        %mul3A_559 = arith.constant 16 : i32
        %mul3A_560 = arith.muli %scan3A_38, %mul3A_559 : i32
        %get3A_561 = arith.constant 61 : i32
        %get3A_562 = arith.index_cast %get3A_561 : i32 to index
        %get3A_563 = arith.index_cast %mul3A_560 : i32 to index
        %get3A_564 = tpu.vector_load %arg6[%get3A_562, %get3A_563] {strides = array<i32>} : memref<88x768xf32, #tpu.memory_space<vmem>>, vector<1x16xf32>,
        %get3A_565 = vector.shape_cast %get3A_564 : vector<1x16xf32> to vector<16xf32>
        %add3A_566 = arith.addf %add3A_558, %get3A_565 : vector<16xf32>
        %mul3A_567 = arith.constant 16 : i32
        %mul3A_568 = arith.muli %scan3A_38, %mul3A_567 : i32
        %get3A_569 = arith.constant 62 : i32
        %get3A_570 = arith.index_cast %get3A_569 : i32 to index
        %get3A_571 = arith.index_cast %mul3A_568 : i32 to index
        %get3A_572 = tpu.vector_load %arg6[%get3A_570, %get3A_571] {strides = array<i32>} : memref<88x768xf32, #tpu.memory_space<vmem>>, vector<1x16xf32>,
        %get3A_573 = vector.shape_cast %get3A_572 : vector<1x16xf32> to vector<16xf32>
        %add3A_574 = arith.addf %add3A_566, %get3A_573 : vector<16xf32>
        %mul3A_575 = arith.constant 16 : i32
        %mul3A_576 = arith.muli %scan3A_38, %mul3A_575 : i32
        %get3A_577 = arith.constant 63 : i32
        %get3A_578 = arith.index_cast %get3A_577 : i32 to index
        %get3A_579 = arith.index_cast %mul3A_576 : i32 to index
        %get3A_580 = tpu.vector_load %arg6[%get3A_578, %get3A_579] {strides = array<i32>} : memref<88x768xf32, #tpu.memory_space<vmem>>, vector<1x16xf32>,
        %get3A_581 = vector.shape_cast %get3A_580 : vector<1x16xf32> to vector<16xf32>
        %add3A_582 = arith.addf %add3A_574, %get3A_581 : vector<16xf32>
        %mul3A_583 = arith.constant 16 : i32
        %mul3A_584 = arith.muli %scan3A_38, %mul3A_583 : i32
        %get3A_585 = arith.constant 64 : i32
        %get3A_586 = arith.index_cast %get3A_585 : i32 to index
        %get3A_587 = arith.index_cast %mul3A_584 : i32 to index
        %get3A_588 = tpu.vector_load %arg6[%get3A_586, %get3A_587] {strides = array<i32>} : memref<88x768xf32, #tpu.memory_space<vmem>>, vector<1x16xf32>,
        %get3A_589 = vector.shape_cast %get3A_588 : vector<1x16xf32> to vector<16xf32>
        %add3A_590 = arith.addf %add3A_582, %get3A_589 : vector<16xf32>
        %mul3A_591 = arith.constant 16 : i32
        %mul3A_592 = arith.muli %scan3A_38, %mul3A_591 : i32
        %get3A_593 = arith.constant 65 : i32
        %get3A_594 = arith.index_cast %get3A_593 : i32 to index
        %get3A_595 = arith.index_cast %mul3A_592 : i32 to index
        %get3A_596 = tpu.vector_load %arg6[%get3A_594, %get3A_595] {strides = array<i32>} : memref<88x768xf32, #tpu.memory_space<vmem>>, vector<1x16xf32>,
        %get3A_597 = vector.shape_cast %get3A_596 : vector<1x16xf32> to vector<16xf32>
        %add3A_598 = arith.addf %add3A_590, %get3A_597 : vector<16xf32>
        %mul3A_599 = arith.constant 16 : i32
        %mul3A_600 = arith.muli %scan3A_38, %mul3A_599 : i32
        %swap3A_601 = arith.constant 5 : i32
        %swap3A_602 = arith.index_cast %swap3A_601 : i32 to index
        %swap3A_603 = arith.index_cast %mul3A_600 : i32 to index
        %swap3A_604 = tpu.vector_load %arg7[%swap3A_602, %swap3A_603] {strides = array<i32>} : memref<8x768xf32, #tpu.memory_space<vmem>>, vector<1x16xf32>,
        %swap3A_605 = vector.shape_cast %swap3A_604 : vector<1x16xf32> to vector<16xf32>
        %swap3A_606 = vector.shape_cast %add3A_598 : vector<16xf32> to vector<1x16xf32>
        tpu.vector_store %arg7[%swap3A_602, %swap3A_603], %swap3A_606 {strides = array<i32>} : memref<8x768xf32, #tpu.memory_space<vmem>>, vector<1x16xf32>,
        %mul3A_607 = arith.constant 16 : i32
        %mul3A_608 = arith.muli %scan3A_38, %mul3A_607 : i32
        %get3A_609 = arith.constant 66 : i32
        %get3A_610 = arith.index_cast %get3A_609 : i32 to index
        %get3A_611 = arith.index_cast %mul3A_608 : i32 to index
        %get3A_612 = tpu.vector_load %arg6[%get3A_610, %get3A_611] {strides = array<i32>} : memref<88x768xf32, #tpu.memory_space<vmem>>, vector<1x16xf32>,
        %get3A_613 = vector.shape_cast %get3A_612 : vector<1x16xf32> to vector<16xf32>
        %mul3A_614 = arith.constant 16 : i32
        %mul3A_615 = arith.muli %scan3A_38, %mul3A_614 : i32
        %get3A_616 = arith.constant 67 : i32
        %get3A_617 = arith.index_cast %get3A_616 : i32 to index
        %get3A_618 = arith.index_cast %mul3A_615 : i32 to index
        %get3A_619 = tpu.vector_load %arg6[%get3A_617, %get3A_618] {strides = array<i32>} : memref<88x768xf32, #tpu.memory_space<vmem>>, vector<1x16xf32>,
        %get3A_620 = vector.shape_cast %get3A_619 : vector<1x16xf32> to vector<16xf32>
        %add3A_621 = arith.addf %get3A_613, %get3A_620 : vector<16xf32>
        %mul3A_622 = arith.constant 16 : i32
        %mul3A_623 = arith.muli %scan3A_38, %mul3A_622 : i32
        %get3A_624 = arith.constant 68 : i32
        %get3A_625 = arith.index_cast %get3A_624 : i32 to index
        %get3A_626 = arith.index_cast %mul3A_623 : i32 to index
        %get3A_627 = tpu.vector_load %arg6[%get3A_625, %get3A_626] {strides = array<i32>} : memref<88x768xf32, #tpu.memory_space<vmem>>, vector<1x16xf32>,
        %get3A_628 = vector.shape_cast %get3A_627 : vector<1x16xf32> to vector<16xf32>
        %add3A_629 = arith.addf %add3A_621, %get3A_628 : vector<16xf32>
        %mul3A_630 = arith.constant 16 : i32
        %mul3A_631 = arith.muli %scan3A_38, %mul3A_630 : i32
        %get3A_632 = arith.constant 69 : i32
        %get3A_633 = arith.index_cast %get3A_632 : i32 to index
        %get3A_634 = arith.index_cast %mul3A_631 : i32 to index
        %get3A_635 = tpu.vector_load %arg6[%get3A_633, %get3A_634] {strides = array<i32>} : memref<88x768xf32, #tpu.memory_space<vmem>>, vector<1x16xf32>,
        %get3A_636 = vector.shape_cast %get3A_635 : vector<1x16xf32> to vector<16xf32>
        %add3A_637 = arith.addf %add3A_629, %get3A_636 : vector<16xf32>
        %mul3A_638 = arith.constant 16 : i32
        %mul3A_639 = arith.muli %scan3A_38, %mul3A_638 : i32
        %get3A_640 = arith.constant 70 : i32
        %get3A_641 = arith.index_cast %get3A_640 : i32 to index
        %get3A_642 = arith.index_cast %mul3A_639 : i32 to index
        %get3A_643 = tpu.vector_load %arg6[%get3A_641, %get3A_642] {strides = array<i32>} : memref<88x768xf32, #tpu.memory_space<vmem>>, vector<1x16xf32>,
        %get3A_644 = vector.shape_cast %get3A_643 : vector<1x16xf32> to vector<16xf32>
        %add3A_645 = arith.addf %add3A_637, %get3A_644 : vector<16xf32>
        %mul3A_646 = arith.constant 16 : i32
        %mul3A_647 = arith.muli %scan3A_38, %mul3A_646 : i32
        %get3A_648 = arith.constant 71 : i32
        %get3A_649 = arith.index_cast %get3A_648 : i32 to index
        %get3A_650 = arith.index_cast %mul3A_647 : i32 to index
        %get3A_651 = tpu.vector_load %arg6[%get3A_649, %get3A_650] {strides = array<i32>} : memref<88x768xf32, #tpu.memory_space<vmem>>, vector<1x16xf32>,
        %get3A_652 = vector.shape_cast %get3A_651 : vector<1x16xf32> to vector<16xf32>
        %add3A_653 = arith.addf %add3A_645, %get3A_652 : vector<16xf32>
        %mul3A_654 = arith.constant 16 : i32
        %mul3A_655 = arith.muli %scan3A_38, %mul3A_654 : i32
        %get3A_656 = arith.constant 72 : i32
        %get3A_657 = arith.index_cast %get3A_656 : i32 to index
        %get3A_658 = arith.index_cast %mul3A_655 : i32 to index
        %get3A_659 = tpu.vector_load %arg6[%get3A_657, %get3A_658] {strides = array<i32>} : memref<88x768xf32, #tpu.memory_space<vmem>>, vector<1x16xf32>,
        %get3A_660 = vector.shape_cast %get3A_659 : vector<1x16xf32> to vector<16xf32>
        %add3A_661 = arith.addf %add3A_653, %get3A_660 : vector<16xf32>
        %mul3A_662 = arith.constant 16 : i32
        %mul3A_663 = arith.muli %scan3A_38, %mul3A_662 : i32
        %get3A_664 = arith.constant 73 : i32
        %get3A_665 = arith.index_cast %get3A_664 : i32 to index
        %get3A_666 = arith.index_cast %mul3A_663 : i32 to index
        %get3A_667 = tpu.vector_load %arg6[%get3A_665, %get3A_666] {strides = array<i32>} : memref<88x768xf32, #tpu.memory_space<vmem>>, vector<1x16xf32>,
        %get3A_668 = vector.shape_cast %get3A_667 : vector<1x16xf32> to vector<16xf32>
        %add3A_669 = arith.addf %add3A_661, %get3A_668 : vector<16xf32>
        %mul3A_670 = arith.constant 16 : i32
        %mul3A_671 = arith.muli %scan3A_38, %mul3A_670 : i32
        %get3A_672 = arith.constant 74 : i32
        %get3A_673 = arith.index_cast %get3A_672 : i32 to index
        %get3A_674 = arith.index_cast %mul3A_671 : i32 to index
        %get3A_675 = tpu.vector_load %arg6[%get3A_673, %get3A_674] {strides = array<i32>} : memref<88x768xf32, #tpu.memory_space<vmem>>, vector<1x16xf32>,
        %get3A_676 = vector.shape_cast %get3A_675 : vector<1x16xf32> to vector<16xf32>
        %add3A_677 = arith.addf %add3A_669, %get3A_676 : vector<16xf32>
        %mul3A_678 = arith.constant 16 : i32
        %mul3A_679 = arith.muli %scan3A_38, %mul3A_678 : i32
        %get3A_680 = arith.constant 75 : i32
        %get3A_681 = arith.index_cast %get3A_680 : i32 to index
        %get3A_682 = arith.index_cast %mul3A_679 : i32 to index
        %get3A_683 = tpu.vector_load %arg6[%get3A_681, %get3A_682] {strides = array<i32>} : memref<88x768xf32, #tpu.memory_space<vmem>>, vector<1x16xf32>,
        %get3A_684 = vector.shape_cast %get3A_683 : vector<1x16xf32> to vector<16xf32>
        %add3A_685 = arith.addf %add3A_677, %get3A_684 : vector<16xf32>
        %mul3A_686 = arith.constant 16 : i32
        %mul3A_687 = arith.muli %scan3A_38, %mul3A_686 : i32
        %get3A_688 = arith.constant 76 : i32
        %get3A_689 = arith.index_cast %get3A_688 : i32 to index
        %get3A_690 = arith.index_cast %mul3A_687 : i32 to index
        %get3A_691 = tpu.vector_load %arg6[%get3A_689, %get3A_690] {strides = array<i32>} : memref<88x768xf32, #tpu.memory_space<vmem>>, vector<1x16xf32>,
        %get3A_692 = vector.shape_cast %get3A_691 : vector<1x16xf32> to vector<16xf32>
        %add3A_693 = arith.addf %add3A_685, %get3A_692 : vector<16xf32>
        %mul3A_694 = arith.constant 16 : i32
        %mul3A_695 = arith.muli %scan3A_38, %mul3A_694 : i32
        %swap3A_696 = arith.constant 6 : i32
        %swap3A_697 = arith.index_cast %swap3A_696 : i32 to index
        %swap3A_698 = arith.index_cast %mul3A_695 : i32 to index
        %swap3A_699 = tpu.vector_load %arg7[%swap3A_697, %swap3A_698] {strides = array<i32>} : memref<8x768xf32, #tpu.memory_space<vmem>>, vector<1x16xf32>,
        %swap3A_700 = vector.shape_cast %swap3A_699 : vector<1x16xf32> to vector<16xf32>
        %swap3A_701 = vector.shape_cast %add3A_693 : vector<16xf32> to vector<1x16xf32>
        tpu.vector_store %arg7[%swap3A_697, %swap3A_698], %swap3A_701 {strides = array<i32>} : memref<8x768xf32, #tpu.memory_space<vmem>>, vector<1x16xf32>,
        %mul3A_702 = arith.constant 16 : i32
        %mul3A_703 = arith.muli %scan3A_38, %mul3A_702 : i32
        %get3A_704 = arith.constant 77 : i32
        %get3A_705 = arith.index_cast %get3A_704 : i32 to index
        %get3A_706 = arith.index_cast %mul3A_703 : i32 to index
        %get3A_707 = tpu.vector_load %arg6[%get3A_705, %get3A_706] {strides = array<i32>} : memref<88x768xf32, #tpu.memory_space<vmem>>, vector<1x16xf32>,
        %get3A_708 = vector.shape_cast %get3A_707 : vector<1x16xf32> to vector<16xf32>
        %mul3A_709 = arith.constant 16 : i32
        %mul3A_710 = arith.muli %scan3A_38, %mul3A_709 : i32
        %get3A_711 = arith.constant 78 : i32
        %get3A_712 = arith.index_cast %get3A_711 : i32 to index
        %get3A_713 = arith.index_cast %mul3A_710 : i32 to index
        %get3A_714 = tpu.vector_load %arg6[%get3A_712, %get3A_713] {strides = array<i32>} : memref<88x768xf32, #tpu.memory_space<vmem>>, vector<1x16xf32>,
        %get3A_715 = vector.shape_cast %get3A_714 : vector<1x16xf32> to vector<16xf32>
        %add3A_716 = arith.addf %get3A_708, %get3A_715 : vector<16xf32>
        %mul3A_717 = arith.constant 16 : i32
        %mul3A_718 = arith.muli %scan3A_38, %mul3A_717 : i32
        %get3A_719 = arith.constant 79 : i32
        %get3A_720 = arith.index_cast %get3A_719 : i32 to index
        %get3A_721 = arith.index_cast %mul3A_718 : i32 to index
        %get3A_722 = tpu.vector_load %arg6[%get3A_720, %get3A_721] {strides = array<i32>} : memref<88x768xf32, #tpu.memory_space<vmem>>, vector<1x16xf32>,
        %get3A_723 = vector.shape_cast %get3A_722 : vector<1x16xf32> to vector<16xf32>
        %add3A_724 = arith.addf %add3A_716, %get3A_723 : vector<16xf32>
        %mul3A_725 = arith.constant 16 : i32
        %mul3A_726 = arith.muli %scan3A_38, %mul3A_725 : i32
        %get3A_727 = arith.constant 80 : i32
        %get3A_728 = arith.index_cast %get3A_727 : i32 to index
        %get3A_729 = arith.index_cast %mul3A_726 : i32 to index
        %get3A_730 = tpu.vector_load %arg6[%get3A_728, %get3A_729] {strides = array<i32>} : memref<88x768xf32, #tpu.memory_space<vmem>>, vector<1x16xf32>,
        %get3A_731 = vector.shape_cast %get3A_730 : vector<1x16xf32> to vector<16xf32>
        %add3A_732 = arith.addf %add3A_724, %get3A_731 : vector<16xf32>
        %mul3A_733 = arith.constant 16 : i32
        %mul3A_734 = arith.muli %scan3A_38, %mul3A_733 : i32
        %get3A_735 = arith.constant 81 : i32
        %get3A_736 = arith.index_cast %get3A_735 : i32 to index
        %get3A_737 = arith.index_cast %mul3A_734 : i32 to index
        %get3A_738 = tpu.vector_load %arg6[%get3A_736, %get3A_737] {strides = array<i32>} : memref<88x768xf32, #tpu.memory_space<vmem>>, vector<1x16xf32>,
        %get3A_739 = vector.shape_cast %get3A_738 : vector<1x16xf32> to vector<16xf32>
        %add3A_740 = arith.addf %add3A_732, %get3A_739 : vector<16xf32>
        %mul3A_741 = arith.constant 16 : i32
        %mul3A_742 = arith.muli %scan3A_38, %mul3A_741 : i32
        %get3A_743 = arith.constant 82 : i32
        %get3A_744 = arith.index_cast %get3A_743 : i32 to index
        %get3A_745 = arith.index_cast %mul3A_742 : i32 to index
        %get3A_746 = tpu.vector_load %arg6[%get3A_744, %get3A_745] {strides = array<i32>} : memref<88x768xf32, #tpu.memory_space<vmem>>, vector<1x16xf32>,
        %get3A_747 = vector.shape_cast %get3A_746 : vector<1x16xf32> to vector<16xf32>
        %add3A_748 = arith.addf %add3A_740, %get3A_747 : vector<16xf32>
        %mul3A_749 = arith.constant 16 : i32
        %mul3A_750 = arith.muli %scan3A_38, %mul3A_749 : i32
        %get3A_751 = arith.constant 83 : i32
        %get3A_752 = arith.index_cast %get3A_751 : i32 to index
        %get3A_753 = arith.index_cast %mul3A_750 : i32 to index
        %get3A_754 = tpu.vector_load %arg6[%get3A_752, %get3A_753] {strides = array<i32>} : memref<88x768xf32, #tpu.memory_space<vmem>>, vector<1x16xf32>,
        %get3A_755 = vector.shape_cast %get3A_754 : vector<1x16xf32> to vector<16xf32>
        %add3A_756 = arith.addf %add3A_748, %get3A_755 : vector<16xf32>
        %mul3A_757 = arith.constant 16 : i32
        %mul3A_758 = arith.muli %scan3A_38, %mul3A_757 : i32
        %get3A_759 = arith.constant 84 : i32
        %get3A_760 = arith.index_cast %get3A_759 : i32 to index
        %get3A_761 = arith.index_cast %mul3A_758 : i32 to index
        %get3A_762 = tpu.vector_load %arg6[%get3A_760, %get3A_761] {strides = array<i32>} : memref<88x768xf32, #tpu.memory_space<vmem>>, vector<1x16xf32>,
        %get3A_763 = vector.shape_cast %get3A_762 : vector<1x16xf32> to vector<16xf32>
        %add3A_764 = arith.addf %add3A_756, %get3A_763 : vector<16xf32>
        %mul3A_765 = arith.constant 16 : i32
        %mul3A_766 = arith.muli %scan3A_38, %mul3A_765 : i32
        %get3A_767 = arith.constant 85 : i32
        %get3A_768 = arith.index_cast %get3A_767 : i32 to index
        %get3A_769 = arith.index_cast %mul3A_766 : i32 to index
        %get3A_770 = tpu.vector_load %arg6[%get3A_768, %get3A_769] {strides = array<i32>} : memref<88x768xf32, #tpu.memory_space<vmem>>, vector<1x16xf32>,
        %get3A_771 = vector.shape_cast %get3A_770 : vector<1x16xf32> to vector<16xf32>
        %add3A_772 = arith.addf %add3A_764, %get3A_771 : vector<16xf32>
        %mul3A_773 = arith.constant 16 : i32
        %mul3A_774 = arith.muli %scan3A_38, %mul3A_773 : i32
        %get3A_775 = arith.constant 86 : i32
        %get3A_776 = arith.index_cast %get3A_775 : i32 to index
        %get3A_777 = arith.index_cast %mul3A_774 : i32 to index
        %get3A_778 = tpu.vector_load %arg6[%get3A_776, %get3A_777] {strides = array<i32>} : memref<88x768xf32, #tpu.memory_space<vmem>>, vector<1x16xf32>,
        %get3A_779 = vector.shape_cast %get3A_778 : vector<1x16xf32> to vector<16xf32>
        %add3A_780 = arith.addf %add3A_772, %get3A_779 : vector<16xf32>
        %mul3A_781 = arith.constant 16 : i32
        %mul3A_782 = arith.muli %scan3A_38, %mul3A_781 : i32
        %get3A_783 = arith.constant 87 : i32
        %get3A_784 = arith.index_cast %get3A_783 : i32 to index
        %get3A_785 = arith.index_cast %mul3A_782 : i32 to index
        %get3A_786 = tpu.vector_load %arg6[%get3A_784, %get3A_785] {strides = array<i32>} : memref<88x768xf32, #tpu.memory_space<vmem>>, vector<1x16xf32>,
        %get3A_787 = vector.shape_cast %get3A_786 : vector<1x16xf32> to vector<16xf32>
        %add3A_788 = arith.addf %add3A_780, %get3A_787 : vector<16xf32>
        %mul3A_789 = arith.constant 16 : i32
        %mul3A_790 = arith.muli %scan3A_38, %mul3A_789 : i32
        %swap3A_791 = arith.constant 7 : i32
        %swap3A_792 = arith.index_cast %swap3A_791 : i32 to index
        %swap3A_793 = arith.index_cast %mul3A_790 : i32 to index
        %swap3A_794 = tpu.vector_load %arg7[%swap3A_792, %swap3A_793] {strides = array<i32>} : memref<8x768xf32, #tpu.memory_space<vmem>>, vector<1x16xf32>,
        %swap3A_795 = vector.shape_cast %swap3A_794 : vector<1x16xf32> to vector<16xf32>
        %swap3A_796 = vector.shape_cast %add3A_788 : vector<16xf32> to vector<1x16xf32>
        tpu.vector_store %arg7[%swap3A_792, %swap3A_793], %swap3A_796 {strides = array<i32>} : memref<8x768xf32, #tpu.memory_space<vmem>>, vector<1x16xf32>,
      }
      %scan3A_22 = arith.constant 48 : i32
      %mul3A_23 = arith.constant 129 : i32
      %mul3A_24 = arith.muli %add3A, %mul3A_23 : i32
      %mul3A_25 = arith.constant 8 : i32
      %mul3A_26 = arith.muli %mul3A_24, %mul3A_25 : i32
      %mul3A_27 = arith.constant 8 : i32
      %mul3A_28 = arith.muli %scan3A_6, %mul3A_27 : i32
      %add3A_29 = arith.addi %mul3A_26, %mul3A_28 : i32
      %dma_start3A_30 = arith.constant 0 : i32
      %dma_start3A_31 = tpu.memref_slice %arg4[%add3A_29, %dma_start3A_30] : memref<33024x768xf32, #tpu.memory_space<hbm>> -> memref<8x768xf32, #tpu.memory_space<hbm>>
      %dma_start3A_32 = arith.constant 0 : i32
      %dma_start3A_33 = tpu.memref_slice %arg4[%add3A_29, %dma_start3A_32] : memref<33024x768xf32, #tpu.memory_space<hbm>> -> memref<8x768xf32, #tpu.memory_space<hbm>>
      tpu.enqueue_dma source(%arg7 : memref<8x768xf32, #tpu.memory_space<vmem>>) target(%dma_start3A_33 : memref<8x768xf32, #tpu.memory_space<hbm>>) target_semaphore(%arg9 : memref<!tpu.dma_semaphore, #tpu.memory_space<semaphore_mem>>)
      %dma_wait3A_34 = arith.constant 0 : i32
      %dma_wait3A_35 = tpu.memref_slice %arg4[%add3A_29, %dma_wait3A_34] : memref<33024x768xf32, #tpu.memory_space<hbm>> -> memref<8x768xf32, #tpu.memory_space<hbm>>
      %dma_wait3A_36 = arith.constant 0 : i32
      %dma_wait3A_37 = tpu.memref_slice %arg4[%add3A_29, %dma_wait3A_36] : memref<33024x768xf32, #tpu.memory_space<hbm>> -> memref<8x768xf32, #tpu.memory_space<hbm>>
      tpu.wait_dma2 semaphore(%arg9 : memref<!tpu.dma_semaphore, #tpu.memory_space<semaphore_mem>>) src(%arg7 : memref<8x768xf32, #tpu.memory_space<vmem>>) dst(%dma_wait3A_37 : memref<8x768xf32, #tpu.memory_space<hbm>>)
    }
    %scan3A_5 = arith.constant 129 : i32
    return
  }
}

</mosaic_0001>

<sc_bundles>
// kernel: kernel.3.cloned.1.call-start
scs
__scs_entry_jumppad:
0x0: {  	(pc) =	sbr.rel $0x88, $3  }
0x1: {  	(tag) =	ssettag $0x0;
	lr =	simm.s32 $0x1  }
0x2: {  	[smem:$0x3F9A] =	sst lr;
	_ =	strace $0xD0000000  }
0x3: {  	_ = 	snop  }
0x4: {  	_ = 	snop  }
0x5: {  	_ = 	snop  }
0x6: {  	_ = 	snop  }
0x7: {  	_ = 	snop  }
__scs_overlays_trampoline_lowered:
0x8: {  	[smem:$0x3FA9] =	sst s0  }
0x9: {  	[smem:$0x3FAA] =	sst s1  }
0xa: {  	[smem:$0x3FAB] =	sst s2  }
0xb: {  	[smem:$0x3FAC] =	sst s3  }
0xc: {  	[smem:$0x3FAD] =	sst s4  }
0xd: {  	[smem:$0x3FAE] =	sst s5  }
0xe: {  	[smem:$0x3FAF] =	sst s6  }
0xf: {  	[smem:$0x3FB0] =	sst s7  }
0x10: {  	[smem:$0x3FB1] =	sst s8  }
0x11: {  	[smem:$0x3FB2] =	sst s9;
	s0 =	simm.s32 @!p0 $0x0  }
0x12: {  	s1 =	sld [smem:$0x3F98];
	s0 =	simm.s32 @p0 $0x1  }
0x13: {  	[smem:$0x3FB3] =	sst s0;
	s0 =	simm.s32 @!p1 $0x0  }
0x14: {  	s2 =	sld [smem:$0x3F97];
	s0 =	simm.s32 @p1 $0x1  }
0x15: {  	[smem:$0x3FB4] =	sst s0;
	s0 =	simm.s32 @!p2 $0x0  }
0x16: {  	s3 =	sld [smem:$0x3FDB];
	s0 =	simm.s32 @p2 $0x1  }
0x17: {  	s4 =	simm.s32 $0x1BF5;
	[smem:$0x3FB6] =	sst s0  }
0x18: {  	s0 =	sld [smem:$0x3F99];
	_ =	swait.ge [sflag:s4], $0x0  }
0x19: {  	s7 =	sld [smem:$0x3F9A]  }
0x1a: {  	s8 =	sadd.s32 $0xFFFFE003, lr  }
0x1b: {  	s9 =	sadd.s32 $0xFFFFFEF7, lr;
	s5 =	simm.s32 $0xFFFFFFFF;
	p2 =	slt.u32 s8, $0xFFFFF086  }
0x1c: {  	p1 =	slt.u32 s9, $0xF7A;
	s5 =	simm.s32 @!p2 $0x0  }
0x1d: {  	s5 =	simm.s32 @p1 $0x1;
	p0 =	seq.s32 s7, s2  }
0x1e: {  	s7 =	smul.u32 @!p0 $0xF7A, s2;
	p2 =	seq.s32 @!p0 s5, $0x0  }
0x1f: {  	s9 =	smul.u32 $0xF7A, s1;
	s8 =	simm.s32 @!p0 $0x1BF5;
	p2 =	por !p2, p0  }
0x20: {  	[sflag:s8] =	ssyncset.s32 @!p0 $0xFFFFF086;
	s6 =	sadd.s32 @!p0 s3, s7;
	s7 =	simm.s32 @!p0 $0x108  }
0x21: {  	s3 =	sadd.s32 s3, s9;
	s6 =	sadd.s32 @!p0 $0x88, s6;
	s7 =	simm.s32 @p2 $0x1082  }
0x22: {  	[simem:s7], [sflag:s8] =	dma.local @!p0 [hbm:s6], $0xF7A  }
0x23: {  	s9 =	sor.u32 $0xD0000000, s2;
	s6 =	simm.s32 $0x108;
	_ =	swait.ge @!p0 [sflag:s8], $0x0  }
0x24: {  	s3 =	sadd.s32 $0x88, s3;
	s6 =	simm.s32 @!p1 $0x1082;
	[sflag:s4] =	ssyncset.s32 $0xFFFFF086  }
0x25: {  	[simem:s6], [sflag:s4] =	dma.local [hbm:s3], $0xF7A  }
0x26: {  	[smem:$0x3F9A] =	sst s1;
	(tag) =	ssettag s2;
	_ =	strace s9  }
0x27: {  	s1 =	sld [smem:$0x3FAA]  }
0x28: {  	s2 =	sld [smem:$0x3FAB]  }
0x29: {  	s4 =	sld [smem:$0x3FAD]  }
0x2a: {  	p0 =	seq.s32 s5, $0x0;
	s5 =	sld [smem:$0x3FAE]  }
0x2b: {  	s6 =	sld [smem:$0x3FAF]  }
0x2c: {  	s7 =	sld [smem:$0x3FB0]  }
0x2d: {  	s3 =	simm.s32 $0x108;
	s8 =	sld [smem:$0x3FB1]  }
0x2e: {  	s3 =	simm.s32 @!p0 $0x1082;
	s9 =	sld [smem:$0x3FB2]  }
0x2f: {  	lr =	sadd.s32 s0, s3;
	s0 =	sld [smem:$0x3FA9]  }
0x30: {  	s3 =	sld [smem:$0x3FAC]  }
0x31: {  	[smem:$0x3FB5] =	sst s10  }
0x32: {  	s10 =	sld [smem:$0x3FB3];
	_ =	sdelay $0x3  }
0x33: {  	p0 =	seq.s32 s10, $0x1;
	s10 =	sld [smem:$0x3FB5];
	_ =	sdelay $0x3  }
0x34: {  	[smem:$0x3FB5] =	sst s10  }
0x35: {  	s10 =	sld [smem:$0x3FB4];
	_ =	sdelay $0x3  }
0x36: {  	p1 =	seq.s32 s10, $0x1;
	s10 =	sld [smem:$0x3FB5];
	_ =	sdelay $0x3  }
0x37: {  	[smem:$0x3FB5] =	sst s10  }
0x38: {  	s10 =	sld [smem:$0x3FB6]  }
0x39: {  	_ = 	snop;
	(pc) =	sbr.ind lr, $3  }
0x3a: {  	_ = 	snop  }
0x3b: {  	_ = 	snop  }
0x3c: {  	p2 =	seq.s32 s10, $0x1;
	s10 =	sld [smem:$0x3FB5]  }
0x3d: {  	_ =	shalt  }
0x3e: {  	_ =	shalt  }
0x3f: {  	_ =	shalt  }
0x40: {  	_ =	shalt  }
0x41: {  	_ =	shalt  }
0x42: {  	_ =	shalt  }
0x43: {  	_ =	shalt  }
0x44: {  	_ =	shalt  }
0x45: {  	_ =	shalt  }
0x46: {  	_ =	shalt  }
0x47: {  	_ =	shalt  }
0x48: {  	_ =	shalt  }
0x49: {  	_ =	shalt  }
0x4a: {  	_ =	shalt  }
0x4b: {  	_ =	shalt  }
0x4c: {  	_ =	shalt  }
0x4d: {  	_ =	shalt  }
0x4e: {  	_ =	shalt  }
0x4f: {  	_ =	shalt  }
0x50: {  	_ =	shalt  }
0x51: {  	_ =	shalt  }
0x52: {  	_ =	shalt  }
0x53: {  	_ =	shalt  }
0x54: {  	_ =	shalt  }
0x55: {  	_ =	shalt  }
0x56: {  	_ =	shalt  }
0x57: {  	_ =	shalt  }
0x58: {  	_ =	shalt  }
0x59: {  	_ =	shalt  }
0x5a: {  	_ =	shalt  }
0x5b: {  	_ =	shalt  }
0x5c: {  	_ =	shalt  }
0x5d: {  	_ =	shalt  }
0x5e: {  	_ =	shalt  }
0x5f: {  	_ =	shalt  }
0x60: {  	_ =	shalt  }
0x61: {  	_ =	shalt  }
0x62: {  	_ =	shalt  }
0x63: {  	_ =	shalt  }
0x64: {  	_ =	shalt  }
0x65: {  	_ =	shalt  }
0x66: {  	_ =	shalt  }
0x67: {  	_ =	shalt  }
0x68: {  	_ =	shalt  }
0x69: {  	_ =	shalt  }
0x6a: {  	_ =	shalt  }
0x6b: {  	_ =	shalt  }
0x6c: {  	_ =	shalt  }
0x6d: {  	_ =	shalt  }
0x6e: {  	_ =	shalt  }
0x6f: {  	_ =	shalt  }
0x70: {  	_ =	shalt  }
0x71: {  	_ =	shalt  }
0x72: {  	_ =	shalt  }
0x73: {  	_ =	shalt  }
0x74: {  	_ =	shalt  }
0x75: {  	_ =	shalt  }
0x76: {  	_ =	shalt  }
0x77: {  	_ =	shalt  }
0x78: {  	_ =	shalt  }
0x79: {  	_ =	shalt  }
0x7a: {  	_ =	shalt  }
0x7b: {  	_ =	shalt  }
0x7c: {  	_ =	shalt  }
0x7d: {  	_ =	shalt  }
0x7e: {  	_ =	shalt  }
0x7f: {  	_ =	shalt  }
0x80: {  	_ =	shalt  }
0x81: {  	_ =	shalt  }
0x82: {  	_ =	shalt  }
0x83: {  	_ =	shalt  }
0x84: {  	_ =	shalt  }
0x85: {  	_ =	shalt  }
0x86: {  	_ =	shalt  }
0x87: {  	_ =	shalt  }
.Lfunc_end0:
.L_simem_size_0:
called_computation.1_lowered:
.L_overlay_start_0:
0x88: {  	s2 =	sld [smem:$0x3FD9]  }
0x89: {  	s3 =	sld [smem:$0x3FFE];
	_ =	sdelay $0x1  }
0x8a: {  	s1 =	srdreg.scid  }
0x8b: {  	s0 =	sand.u32 $0x1, s1  }
0x8c: {  	s17 =	sshll.u32 s0, $0xA;
	s2 =	sadd.s32 s3, s2  }
0x8d: {  	s2 =	sadd.s32 s2, s17  }
0x8e: {  	[smem:$0x3FC1] =	sst s2  }
0x8f: {  	_ = 	snop  }
0x90: {  	s2 =	sld [smem:$0x3FD0];
	(tm) =	ssettm $0x1  }
0x91: {  	s18 =	sld [smem:$0x3FFB];
	_ =	sdelay $0x3  }
0x92: {  	_ =	strace s18  }
0x93: {  	s3 =	sld [smem:$0x3FFC];
	_ =	sdelay $0x3  }
0x94: {  	_ =	strace s3  }
0x95: {  	s3 =	sld [smem:$0x3FFD];
	_ =	sdelay $0x3  }
0x96: {  	_ =	strace s3  }
0x97: {  	_ =	strace $0x8FFFFFFF  }
0x98: {  	s19 =	sld [smem:$0x3FDB];
	_ =	sdelay $0x1  }
0x99: {  	s4 =	simm.s32 $_scs_section_size  }
0x9a: {  	s5 =	simm.s32 $_size__tile_overlayer_lowered;
	s6 =	simm.s32 $_tile_overlayer_lowered  }
0x9b: {  	s22 =	simm.s32 $0x1BFF;
	s21 =	sshll.u32 s6, $0x1;
	s3 =	sadd.s32 s4, s19  }
0x9c: {  	s7 =	simm.s32 $0x0;
	s20 =	sshll.u32 s5, $0x1;
	s5 =	sadd.s32 s21, s3  }
0x9d: {  	[timem:s7], [sflag:s22] =	dma.local [hbm:s5], s20  }
0x9e: {  	_ =	swait.ge [sflag:s22], s20  }
0x9f: {  	s4 =	ssub.s32 $0x0, s20;
	[sflag:s22] =	ssyncset.done $0x0  }
0xa0: {  	[sflag:s22] =	ssyncadd.s32 s4;
	_ =	sdelay $0x1  }
0xa1: {  	s23 =	simm.s32 $0x1B8B  }
0xa2: {  	_ =	swait.ge [sflag:s23], $0x1  }
0xa3: {  	[sflag:s23] =	ssyncset.done $0x0  }
0xa4: {  	s25 =	simm.s32 $0x1B8E;
	s24 =	sld [smem:$0x3FFE];
	[sflag:s23] =	ssyncadd.s32 $0xFFFFFFFF  }
0xa5: {  	s26 =	simm.s32 $execute0_lowered;
	[smem:$0x3FD2] =	sst s25  }
0xa6: {  	s5 =	sshll.u32 s26, $0x1;
	_ =	strace $0x80000046;
	[dreg:$0x1] =	wrdreg $0xFFFFFFFF  }
0xa7: {  	s28 =	simm.s32 $_size_execute0_lowered;
	s3 =	sadd.s32 s3, s5;
	[dreg:$0x0] =	wrdreg $0x0  }
0xa8: {  	s5 =	sshll.u32 s28, $0x1;
	[dreg:$0x2] =	wrdreg s3  }
0xa9: {  	[dreg:$0x3] =	wrdreg s5  }
0xaa: {  	[dreg:$0x4] =	wrdreg $0xC0  }
0xab: {  	_ =	task [dreg:s7], $0x5FFFF  }
0xac: {  	[dreg:$0x1] =	wrdreg $0xFFFFFFFF  }
0xad: {  	[dreg:$0x0] =	wrdreg $0x60  }
0xae: {  	[dreg:$0x2] =	wrdreg s24  }
0xaf: {  	[dreg:$0x3] =	wrdreg s2  }
0xb0: {  	[dreg:$0x4] =	wrdreg $0x9  }
0xb1: {  	_ =	task.clear_ibuf [dreg:s7], $0x5FFFF;
	_ =	strace $0x90000046  }
0xb2: {  	s29 =	simm.s32 $0x9;
	_ =	strace $0x80000048  }
0xb3: {  	_ =	swait.ge [sflag:s29], $0x1  }
0xb4: {  	[sflag:s29] =	ssyncadd.s32 $0xFFFFFFFF  }
0xb5: {  	_ =	strace $0x90000048  }
0xb6: {  	_ =	sfence  }
0xb7: {  	s30 =	sld [smem:$0x0];
	_ =	sdelay $0x2  }
0xb8: {  	s31 =	sshll.u32 s1, $0xD;
	s1 =	sshrl.u32 s1, $0x2  }
0xb9: {  	s3 =	sand.u32 $0x4000, s31;
	s1 =	sadd.s32 s1, s30  }
0xba: {  	s0 =	sor.u32 s3, s0;
	s1 =	sshll.u32 s1, $0x11  }
0xbb: {  	s0 =	sor.u32 s1, s0  }
0xbc: {  	s0 =	sadd.s32 $0x8F2B, s0  }
0xbd: {  	[sflag:s0] =	ssyncadd.remote.s32 $0x1  }
0xbe: {  	_ =	sfence.sel $0xFFFF  }
0xbf: {  	[dreg:$0x0] =	wrdreg $0xFFFFFFFF;
	(pc) =	sbr.abs _section_cstart, $3  }
0xc0: {  	[dreg:$0x1] =	wrdreg $0xFFFFFFFF  }
0xc1: {  	_ =	task.clear_ibuf [dreg:s7], $0x2FFFF;
	_ =	strace $0x9FFFFFFF  }
0xc2: {  	(tm) =	ssettm $0x7FFFFFFF  }
0xc3: {  	_ =	shalt  }
tec
execute0_lowered:
.L_overlay_start_1:
0x0: {  	(tag) =	ssettag $0x1  }
0x1: {  	s0 =	srdreg.scid  }
0x2: {  	s2 =	stileid.u32;
	s1 =	rddreg [dreg:$0x0]  }
0x3: {  	s4 =	simm.s32 $0x0;
	s25 =	simm.s32 $0xB400;
	s26 =	simm.s32 $0xBC00  }
0x4: {  	s28 =	simm.s32 $0xC400;
	s29 =	simm.s32 $0xCC00;
	s30 =	simm.s32 $0xD400  }
0x5: {  	s31 =	simm.s32 $0xDC00;
	s9 =	simm.s32 $0xFC00;
	s10 =	simm.s32 $0x10400  }
0x6: {  	s11 =	simm.s32 $0x11C00;
	s12 =	simm.s32 $0x12400;
	s13 =	simm.s32 $0x12C00  }
0x7: {  	s14 =	simm.s32 $0x13400;
	s15 =	simm.s32 $0x13C00;
	s16 =	simm.s32 $0x14400  }
0x8: {  	s17 =	simm.s32 $0x1;
	s18 =	simm.s32 $0x14C00;
	s19 =	simm.s32 $0x2  }
0x9: {  	s21 =	simm.s32 $0x0;
	s0 =	sand.u32 $0x1, s0;
	s2 =	sshll.u32 s2, $0x1  }
0xa: {  	[smem:$0x7FF] =	sst s4;
	s4 =	sadd.s32 $0x12C00, s1;
	s6 =	sadd.s32 $0x12D00, s1  }
0xb: {  	s7 =	sadd.s32 $0x12E00, s1;
	s2 =	sor.u32 s0, s2;
	s0 =	ssub.s32 $0x2, s0  }
0xc: {  	_ =	strace $0x80000047;
	s3 =	smul.u32 $0x880, s2;
	s5 =	sshrl.u32 s0, $0x1  }
0xd: {  	s8 =	smul.u32 $0x81, s2;
	s2 =	simm.s32 $0x10C00;
	s0 =	ssub.s32 s0, s5  }
0xe: {  	v2 =	vlaneseq.u32;
	s5 =	simm.s32 $0xF400;
	s3 =	sadd.s32 s3, s1;
	s0 =	smax.u32 s0, $0x1  }
0xf: {  	vm0 =	vmmov $0xffff;
	v1 =	vshrl.u32 v2, $0x3;
	s1 =	simm.s32 $0xE400;
	s3 =	sadd.s32 $0x1C00, s3;
	[dreg:$0x4] =	wrdreg s0  }
0x10: {  	v0 =	vand.u32 $0x7, v2;
	v2 =	vor.u32 $0x8, v2;
	v1 =	vmul.u32 $0x8, v1;
	s0 =	simm.s32 $0xEC00;
	[dreg:$0x3] =	wrdreg s3;
	s3 =	simm.s32 $0x11400  }
.LBB2_1:
0x11: {  	[dreg:$0x5] =	wrdreg s21  }
0x12: {  	s20 =	simm.s32 $0x0;
	s23 =	rddreg [dreg:$0x3];
	s24 =	simm.s32 $0x3  }
0x13: {  	[tilespmem:s20], [sflag:$0x3] =	stream.linear.gather [hbm4b:s23+s20], $0x4080, $0x38;
	[tilespmem:$0x16400] =	vst v63  }
0x14: {  	_ =	swait.ge [sflag:s24], $0x4080  }
0x15: {  	[sflag:s24] =	ssyncset.done $0x0  }
0x16: {  	s20 =	simm.s32 $0x0;
	[sflag:s24] =	ssyncadd.s32 $0xFFFFBF80  }
.LBB2_2:
0x17: {  	s21 =	sshll.u32 s20, $0x7  }
0x18: {  	s22 =	sand.u32 $0x3FFFFF80, s21  }
0x19: {  	v3 =	vld [tilespmem:s22+$0x0];
	_ =	sdelay $0x4  }
0x1a: {  	v4 =	vshrl.u32 v3, $0x3  }
0x1b: {  	v4 =	vmul.u32 $0x30, v4  }
0x1c: {  	v3 =	vand.u32 $0x7, v3  }
0x1d: {  	v3 =	vor.u32 v3, v4  }
0x1e: {  	v4 =	vperm.xlane v3, v0;
	_ =	sdelay $0x1  }
0x1f: {  	v4 =	vadd.s32 v1, v4;
	_ =	sdelay $0x3  }
0x20: {  	s23 =	simm.s32 $0x4400;
	s21 =	simm.s32 $0x0;
	v3 =	vperm.xlane v3, v2  }
0x21: {  	[tilespmem:s23], [sflag:$0x1] =	stream.indirect_vreg.gather [hbm4b:s4+s21], $0x80, v4, vm0, $0xb8;
	[tilespmem:$0x16400] =	vst v63  }
0x22: {  	s24 =	simm.s32 $0x4C00;
	v3 =	vadd.s32 v1, v3  }
0x23: {  	[tilespmem:s24], [sflag:$0x1] =	stream.indirect_vreg.gather [hbm4b:s6+s21], $0x80, v4, vm0, $0xb8;
	[tilespmem:$0x16400] =	vst v63  }
0x24: {  	s24 =	simm.s32 $0x5400  }
0x25: {  	[tilespmem:s24], [sflag:$0x1] =	stream.indirect_vreg.gather [hbm4b:s7+s21], $0x80, v4, vm0, $0xb8;
	[tilespmem:$0x16400] =	vst v63  }
0x26: {  	s24 =	simm.s32 $0x5C00  }
0x27: {  	[tilespmem:s24], [sflag:$0x1] =	stream.indirect_vreg.gather [hbm4b:s4+s21], $0x80, v3, vm0, $0xb8;
	[tilespmem:$0x16400] =	vst v63  }
0x28: {  	s24 =	simm.s32 $0x6400  }
0x29: {  	[tilespmem:s24], [sflag:$0x1] =	stream.indirect_vreg.gather [hbm4b:s6+s21], $0x80, v3, vm0, $0xb8;
	[tilespmem:$0x16400] =	vst v63  }
0x2a: {  	s24 =	simm.s32 $0x6C00  }
0x2b: {  	[tilespmem:s24], [sflag:$0x1] =	stream.indirect_vreg.gather [hbm4b:s7+s21], $0x80, v3, vm0, $0xb8;
	[tilespmem:$0x16400] =	vst v63  }
0x2c: {  	v3 =	vld [tilespmem:s22+$0x10];
	_ =	sdelay $0x4  }
0x2d: {  	v59 =	vshrl.u32 v3, $0x3  }
0x2e: {  	v4 =	vmul.u32 $0x30, v59  }
0x2f: {  	v3 =	vand.u32 $0x7, v3  }
0x30: {  	v3 =	vor.u32 v3, v4  }
0x31: {  	v4 =	vperm.xlane v3, v0;
	_ =	sdelay $0x1  }
0x32: {  	v4 =	vadd.s32 v1, v4;
	_ =	sdelay $0x3  }
0x33: {  	s24 =	simm.s32 $0x7400;
	v3 =	vperm.xlane v3, v2  }
0x34: {  	[tilespmem:s24], [sflag:$0x1] =	stream.indirect_vreg.gather [hbm4b:s4+s21], $0x80, v4, vm0, $0xb8;
	[tilespmem:$0x16400] =	vst v63  }
0x35: {  	v3 =	vadd.s32 v1, v3;
	s24 =	simm.s32 $0x7C00  }
0x36: {  	[tilespmem:s24], [sflag:$0x1] =	stream.indirect_vreg.gather [hbm4b:s6+s21], $0x80, v4, vm0, $0xb8;
	[tilespmem:$0x16400] =	vst v63  }
0x37: {  	s24 =	simm.s32 $0x8400  }
0x38: {  	[tilespmem:s24], [sflag:$0x1] =	stream.indirect_vreg.gather [hbm4b:s7+s21], $0x80, v4, vm0, $0xb8;
	[tilespmem:$0x16400] =	vst v63  }
0x39: {  	s24 =	simm.s32 $0x8C00  }
0x3a: {  	[tilespmem:s24], [sflag:$0x1] =	stream.indirect_vreg.gather [hbm4b:s4+s21], $0x80, v3, vm0, $0xb8;
	[tilespmem:$0x16400] =	vst v63  }
0x3b: {  	s24 =	simm.s32 $0x9400  }
0x3c: {  	[tilespmem:s24], [sflag:$0x1] =	stream.indirect_vreg.gather [hbm4b:s6+s21], $0x80, v3, vm0, $0xb8;
	[tilespmem:$0x16400] =	vst v63  }
0x3d: {  	s24 =	simm.s32 $0x9C00  }
0x3e: {  	[tilespmem:s24], [sflag:$0x1] =	stream.indirect_vreg.gather [hbm4b:s7+s21], $0x80, v3, vm0, $0xb8;
	[tilespmem:$0x16400] =	vst v63  }
0x3f: {  	v3 =	vld [tilespmem:s22+$0x20];
	_ =	sdelay $0x4  }
0x40: {  	v60 =	vshrl.u32 v3, $0x3  }
0x41: {  	v4 =	vmul.u32 $0x30, v60  }
0x42: {  	v3 =	vand.u32 $0x7, v3  }
0x43: {  	v3 =	vor.u32 v3, v4  }
0x44: {  	v4 =	vperm.xlane v3, v0;
	_ =	sdelay $0x1  }
0x45: {  	v4 =	vadd.s32 v1, v4;
	_ =	sdelay $0x3  }
0x46: {  	s24 =	simm.s32 $0xA400;
	v3 =	vperm.xlane v3, v2  }
0x47: {  	[tilespmem:s24], [sflag:$0x1] =	stream.indirect_vreg.gather [hbm4b:s4+s21], $0x80, v4, vm0, $0xb8;
	[tilespmem:$0x16400] =	vst v63  }
0x48: {  	v3 =	vadd.s32 v1, v3;
	s24 =	simm.s32 $0xAC00  }
0x49: {  	[tilespmem:s24], [sflag:$0x1] =	stream.indirect_vreg.gather [hbm4b:s6+s21], $0x80, v4, vm0, $0xb8;
	[tilespmem:$0x16400] =	vst v63  }
0x4a: {  	_ = 	snop  }
0x4b: {  	[tilespmem:s25], [sflag:$0x1] =	stream.indirect_vreg.gather [hbm4b:s7+s21], $0x80, v4, vm0, $0xb8;
	[tilespmem:$0x16400] =	vst v63  }
0x4c: {  	_ = 	snop  }
0x4d: {  	[tilespmem:s26], [sflag:$0x1] =	stream.indirect_vreg.gather [hbm4b:s4+s21], $0x80, v3, vm0, $0xb8;
	[tilespmem:$0x16400] =	vst v63  }
0x4e: {  	_ = 	snop  }
0x4f: {  	[tilespmem:s28], [sflag:$0x1] =	stream.indirect_vreg.gather [hbm4b:s6+s21], $0x80, v3, vm0, $0xb8;
	[tilespmem:$0x16400] =	vst v63  }
0x50: {  	_ = 	snop  }
0x51: {  	[tilespmem:s29], [sflag:$0x1] =	stream.indirect_vreg.gather [hbm4b:s7+s21], $0x80, v3, vm0, $0xb8;
	[tilespmem:$0x16400] =	vst v63  }
0x52: {  	v3 =	vld [tilespmem:s22+$0x30];
	_ =	sdelay $0x4  }
0x53: {  	v61 =	vshrl.u32 v3, $0x3  }
0x54: {  	v4 =	vmul.u32 $0x30, v61  }
0x55: {  	v3 =	vand.u32 $0x7, v3  }
0x56: {  	v3 =	vor.u32 v3, v4  }
0x57: {  	v4 =	vperm.xlane v3, v0;
	_ =	sdelay $0x1  }
0x58: {  	v4 =	vadd.s32 v1, v4;
	_ =	sdelay $0x3  }
0x59: {  	v3 =	vperm.xlane v3, v2  }
0x5a: {  	[tilespmem:s30], [sflag:$0x1] =	stream.indirect_vreg.gather [hbm4b:s4+s21], $0x80, v4, vm0, $0xb8;
	[tilespmem:$0x16400] =	vst v63  }
0x5b: {  	v3 =	vadd.s32 v1, v3  }
0x5c: {  	[tilespmem:s31], [sflag:$0x1] =	stream.indirect_vreg.gather [hbm4b:s6+s21], $0x80, v4, vm0, $0xb8;
	[tilespmem:$0x16400] =	vst v63  }
0x5d: {  	_ = 	snop  }
0x5e: {  	[tilespmem:s1], [sflag:$0x1] =	stream.indirect_vreg.gather [hbm4b:s7+s21], $0x80, v4, vm0, $0xb8;
	[tilespmem:$0x16400] =	vst v63  }
0x5f: {  	_ = 	snop  }
0x60: {  	[tilespmem:s0], [sflag:$0x1] =	stream.indirect_vreg.gather [hbm4b:s4+s21], $0x80, v3, vm0, $0xb8;
	[tilespmem:$0x16400] =	vst v63  }
0x61: {  	_ = 	snop  }
0x62: {  	[tilespmem:s5], [sflag:$0x1] =	stream.indirect_vreg.gather [hbm4b:s6+s21], $0x80, v3, vm0, $0xb8;
	[tilespmem:$0x16400] =	vst v63  }
0x63: {  	_ = 	snop  }
0x64: {  	[tilespmem:s9], [sflag:$0x1] =	stream.indirect_vreg.gather [hbm4b:s7+s21], $0x80, v3, vm0, $0xb8;
	[tilespmem:$0x16400] =	vst v63  }
0x65: {  	v3 =	vld [tilespmem:s22+$0x40];
	_ =	sdelay $0x4  }
0x66: {  	v62 =	vshrl.u32 v3, $0x3  }
0x67: {  	v4 =	vmul.u32 $0x30, v62  }
0x68: {  	v3 =	vand.u32 $0x7, v3  }
0x69: {  	v3 =	vor.u32 v3, v4  }
0x6a: {  	v4 =	vperm.xlane v3, v0;
	_ =	sdelay $0x1  }
0x6b: {  	v4 =	vadd.s32 v1, v4;
	_ =	sdelay $0x3  }
0x6c: {  	v3 =	vperm.xlane v3, v2  }
0x6d: {  	[tilespmem:s10], [sflag:$0x1] =	stream.indirect_vreg.gather [hbm4b:s4+s21], $0x80, v4, vm0, $0xb8;
	[tilespmem:$0x16400] =	vst v63  }
0x6e: {  	v3 =	vadd.s32 v1, v3  }
0x6f: {  	[tilespmem:s2], [sflag:$0x1] =	stream.indirect_vreg.gather [hbm4b:s6+s21], $0x80, v4, vm0, $0xb8;
	[tilespmem:$0x16400] =	vst v63  }
0x70: {  	_ = 	snop  }
0x71: {  	[tilespmem:s3], [sflag:$0x1] =	stream.indirect_vreg.gather [hbm4b:s7+s21], $0x80, v4, vm0, $0xb8;
	[tilespmem:$0x16400] =	vst v63  }
0x72: {  	_ = 	snop  }
0x73: {  	[tilespmem:s11], [sflag:$0x1] =	stream.indirect_vreg.gather [hbm4b:s4+s21], $0x80, v3, vm0, $0xb8;
	[tilespmem:$0x16400] =	vst v63  }
0x74: {  	_ = 	snop  }
0x75: {  	[tilespmem:s12], [sflag:$0x1] =	stream.indirect_vreg.gather [hbm4b:s6+s21], $0x80, v3, vm0, $0xb8;
	[tilespmem:$0x16400] =	vst v63  }
0x76: {  	s22 =	sor.u32 $0x50, s22  }
0x77: {  	[tilespmem:s13], [sflag:$0x1] =	stream.indirect_vreg.gather [hbm4b:s7+s21], $0x80, v3, vm0, $0xb8;
	[tilespmem:$0x16400] =	vst v63  }
0x78: {  	v3 =	vld.msk [tilespmem:s22+$0x0], $0xff;
	_ =	sdelay $0x4  }
0x79: {  	v63 =	vshrl.u32 v3, $0x3  }
0x7a: {  	v4 =	vmul.u32 $0x30, v63  }
0x7b: {  	v3 =	vand.u32 $0x7, v3  }
0x7c: {  	v3 =	vor.u32 v3, v4  }
0x7d: {  	v3 =	vperm.xlane v3, v0;
	_ =	sdelay $0x1  }
0x7e: {  	v3 =	vadd.s32 v1, v3;
	_ =	sdelay $0x4  }
0x7f: {  	[tilespmem:s14], [sflag:$0x1] =	stream.indirect_vreg.gather [hbm4b:s4+s21], $0x80, v3, vm0, $0xb8;
	[tilespmem:$0x16400] =	vst v63  }
0x80: {  	_ = 	snop  }
0x81: {  	[tilespmem:s15], [sflag:$0x1] =	stream.indirect_vreg.gather [hbm4b:s6+s21], $0x80, v3, vm0, $0xb8;
	[tilespmem:$0x16400] =	vst v63  }
0x82: {  	_ = 	snop  }
0x83: {  	[tilespmem:s16], [sflag:$0x1] =	stream.indirect_vreg.gather [hbm4b:s7+s21], $0x80, v3, vm0, $0xb8;
	[tilespmem:$0x16400] =	vst v63  }
0x84: {  	_ =	swait.ge [sflag:s17], $0x10800  }
0x85: {  	[sflag:s17] =	ssyncset.done $0x0  }
0x86: {  	s22 =	simm.s32 $0x0;
	[sflag:s17] =	ssyncadd.s32 $0xFFFEF800  }
.LBB2_3:
0x87: {  	s23 =	sand.u32 $0x70, s22;
	s24 =	sand.u32 $0x1C00, s21  }
0x88: {  	s23 =	sor.u32 s23, s24  }
0x89: {  	v3 =	vld [tilespmem:s23+$0x4400]  }
0x8a: {  	v4 =	vld [tilespmem:s23+$0x4480]  }
0x8b: {  	v5 =	vld [tilespmem:s23+$0x4500]  }
0x8c: {  	v6 =	vld [tilespmem:s23+$0x4580]  }
0x8d: {  	v7 =	vld [tilespmem:s23+$0x4600]  }
0x8e: {  	v8 =	vld [tilespmem:s23+$0x4680]  }
0x8f: {  	v9 =	vld [tilespmem:s23+$0x4700]  }
0x90: {  	v11 =	vld [tilespmem:s23+$0x5C00]  }
0x91: {  	v12 =	vld [tilespmem:s23+$0x5C80]  }
0x92: {  	v13 =	vld [tilespmem:s23+$0x5D00]  }
0x93: {  	v14 =	vld [tilespmem:s23+$0x5D80]  }
0x94: {  	v15 =	vld [tilespmem:s23+$0x5E00]  }
0x95: {  	v16 =	vld [tilespmem:s23+$0x5E80]  }
0x96: {  	v17 =	vld [tilespmem:s23+$0x5F00]  }
0x97: {  	v18 =	vld [tilespmem:s23+$0x5F80]  }
0x98: {  	v19 =	vld [tilespmem:s23+$0x7400]  }
0x99: {  	v20 =	vld [tilespmem:s23+$0x7480]  }
0x9a: {  	v21 =	vld [tilespmem:s23+$0x7500]  }
0x9b: {  	v22 =	vld [tilespmem:s23+$0x7580]  }
0x9c: {  	v23 =	vld [tilespmem:s23+$0x7600]  }
0x9d: {  	v24 =	vld [tilespmem:s23+$0x7680]  }
0x9e: {  	v25 =	vld [tilespmem:s23+$0x7700]  }
0x9f: {  	v26 =	vld [tilespmem:s23+$0x7780]  }
0xa0: {  	v27 =	vld [tilespmem:s23+$0x8C00]  }
0xa1: {  	v28 =	vld [tilespmem:s23+$0x8C80]  }
0xa2: {  	v29 =	vld [tilespmem:s23+$0x8D00]  }
0xa3: {  	v30 =	vld [tilespmem:s23+$0x8D80]  }
0xa4: {  	v31 =	vld [tilespmem:s23+$0x8E00]  }
0xa5: {  	v32 =	vld [tilespmem:s23+$0x8E80]  }
0xa6: {  	v33 =	vld [tilespmem:s23+$0x8F00]  }
0xa7: {  	v34 =	vld [tilespmem:s23+$0x8F80]  }
0xa8: {  	v35 =	vld [tilespmem:s23+$0xA400]  }
0xa9: {  	v36 =	vld [tilespmem:s23+$0xA480]  }
0xaa: {  	v37 =	vld [tilespmem:s23+$0xA500]  }
0xab: {  	v38 =	vld [tilespmem:s23+$0xA580]  }
0xac: {  	v39 =	vld [tilespmem:s23+$0xA600]  }
0xad: {  	v40 =	vld [tilespmem:s23+$0xA680]  }
0xae: {  	v41 =	vld [tilespmem:s23+$0xA700]  }
0xaf: {  	v42 =	vld [tilespmem:s23+$0xA780]  }
0xb0: {  	v43 =	vld [tilespmem:s23+$0xBC00]  }
0xb1: {  	v44 =	vld [tilespmem:s23+$0xBC80]  }
0xb2: {  	v45 =	vld [tilespmem:s23+$0xBD00]  }
0xb3: {  	v46 =	vld [tilespmem:s23+$0xBD80]  }
0xb4: {  	v47 =	vld [tilespmem:s23+$0xBE00]  }
0xb5: {  	v48 =	vld [tilespmem:s23+$0xBE80]  }
0xb6: {  	v49 =	vld [tilespmem:s23+$0xBF00]  }
0xb7: {  	v50 =	vld [tilespmem:s23+$0xBF80]  }
0xb8: {  	v51 =	vld [tilespmem:s23+$0xD400]  }
0xb9: {  	v52 =	vld [tilespmem:s23+$0xD480]  }
0xba: {  	v53 =	vld [tilespmem:s23+$0xD500]  }
0xbb: {  	v54 =	vld [tilespmem:s23+$0xEC00]  }
0xbc: {  	v55 =	vld [tilespmem:s23+$0xEC80]  }
0xbd: {  	v56 =	vld [tilespmem:s23+$0xED00];
	v3 =	vadd.f32 v4, v3;
	v14 =	vadd.f32 v15, v14  }
0xbe: {  	v57 =	vld [tilespmem:s23+$0xED80];
	v63 =	vadd.f32 v26, v25;
	v37 =	vadd.f32 v37, v36  }
0xbf: {  	v58 =	vld [tilespmem:s23+$0xEE00];
	v3 =	vadd.f32 v5, v3;
	v14 =	vadd.f32 v16, v14  }
0xc0: {  	v59 =	vld [tilespmem:s23+$0xEE80];
	v5 =	vadd.f32 v27, v63;
	v16 =	vadd.f32 v38, v37  }
0xc1: {  	v60 =	vld [tilespmem:s23+$0xEF00];
	v3 =	vadd.f32 v6, v3;
	v14 =	vadd.f32 v17, v14  }
0xc2: {  	v61 =	vld [tilespmem:s23+$0xEF80];
	v5 =	vadd.f32 v28, v5;
	v16 =	vadd.f32 v39, v16  }
0xc3: {  	s24 =	sor.u32 s21, s22;
	v6 =	vld [tilespmem:s23+$0xD780];
	v39 =	vadd.f32 v48, v47;
	v3 =	vadd.f32 v7, v3  }
0xc4: {  	s24 =	sor.u32 $0x380, s24;
	v62 =	vld [tilespmem:s23+$0x10400];
	v14 =	vadd.f32 v18, v14;
	v5 =	vadd.f32 v29, v5  }
0xc5: {  	v10 =	vld [tilespmem:s24+$0x4400];
	v16 =	vadd.f32 v40, v16;
	v27 =	vadd.f32 v49, v39  }
0xc6: {  	v4 =	vld [tilespmem:s23+$0xD580];
	v3 =	vadd.f32 v8, v3;
	v14 =	vadd.f32 v19, v14  }
0xc7: {  	v36 =	vld [tilespmem:s23+$0x11E80];
	v5 =	vadd.f32 v30, v5;
	v16 =	vadd.f32 v41, v16  }
0xc8: {  	v37 =	vld [tilespmem:s23+$0x11F00];
	v6 =	vadd.f32 v54, v6;
	v3 =	vadd.f32 v9, v3  }
0xc9: {  	v15 =	vld [tilespmem:s23+$0xD600];
	v14 =	vadd.f32 v20, v14;
	v5 =	vadd.f32 v31, v5  }
0xca: {  	v25 =	vld [tilespmem:s23+$0xD680];
	v16 =	vadd.f32 v42, v16;
	v6 =	vadd.f32 v55, v6  }
0xcb: {  	v40 =	vld [tilespmem:s23+$0x11F80];
	v3 =	vadd.f32 v10, v3;
	v5 =	vadd.f32 v32, v5  }
0xcc: {  	v14 =	vadd.f32 v21, v14;
	v16 =	vadd.f32 v43, v16;
	v32 =	vld [tilespmem:s23+$0x10500]  }
0xcd: {  	v43 =	vadd.f32 v37, v36;
	v5 =	vadd.f32 v33, v5;
	v33 =	vld [tilespmem:s23+$0x10580]  }
0xce: {  	v26 =	vld [tilespmem:s23+$0xD700];
	v6 =	vadd.f32 v56, v6;
	v3 =	vadd.f32 v11, v3  }
0xcf: {  	v38 =	vld [tilespmem:s23+$0x10600];
	v14 =	vadd.f32 v22, v14;
	v16 =	vadd.f32 v44, v16  }
0xd0: {  	v42 =	vld [tilespmem:s23+$0x13400];
	v7 =	vadd.f32 v40, v43;
	v6 =	vadd.f32 v57, v6  }
0xd1: {  	v41 =	vld [tilespmem:s23+$0x10680];
	v3 =	vadd.f32 v12, v3;
	v14 =	vadd.f32 v23, v14  }
0xd2: {  	v63 =	vld [tilespmem:s23+$0x10480];
	v16 =	vadd.f32 v45, v16;
	v12 =	vadd.f32 v33, v32  }
0xd3: {  	v44 =	vld [tilespmem:s23+$0x10700];
	v5 =	vadd.f32 v34, v5;
	v45 =	vadd.f32 v50, v27  }
0xd4: {  	v16 =	vadd.f32 v46, v16;
	v46 =	vld [tilespmem:s23+$0x13480];
	v12 =	vadd.f32 v38, v12  }
0xd5: {  	v47 =	vld [tilespmem:s23+$0x10780];
	v7 =	vadd.f32 v42, v7;
	v6 =	vadd.f32 v58, v6  }
0xd6: {  	v48 =	vld [tilespmem:s23+$0x13500];
	v23 =	vadd.f32 v51, v45;
	v12 =	vadd.f32 v41, v12  }
0xd7: {  	v49 =	vld [tilespmem:s23+$0x11C00];
	v3 =	vadd.f32 v13, v3;
	v14 =	vadd.f32 v24, v14  }
0xd8: {  	v51 =	vld [tilespmem:s23+$0x13580];
	v50 =	vadd.f32 v52, v23;
	v12 =	vadd.f32 v44, v12  }
0xd9: {  	v5 =	vadd.f32 v35, v5;
	v52 =	vld [tilespmem:s23+$0x11C80];
	v7 =	vadd.f32 v46, v7  }
0xda: {  	v22 =	vadd.f32 v53, v50;
	v53 =	vld [tilespmem:s23+$0x13600];
	v12 =	vadd.f32 v47, v12  }
0xdb: {  	v54 =	vld [tilespmem:s23+$0x11D00];
	v6 =	vadd.f32 v59, v6;
	v7 =	vadd.f32 v48, v7  }
0xdc: {  	v55 =	vld [tilespmem:s23+$0x13680];
	v4 =	vadd.f32 v4, v22;
	v8 =	vadd.f32 v49, v12  }
0xdd: {  	v56 =	vld [tilespmem:s23+$0x11D80];
	v6 =	vadd.f32 v60, v6;
	v7 =	vadd.f32 v51, v7  }
0xde: {  	v57 =	vld [tilespmem:s23+$0x13700];
	v4 =	vadd.f32 v15, v4;
	v8 =	vadd.f32 v52, v8  }
0xdf: {  	v58 =	vld [tilespmem:s23+$0x11E00];
	v6 =	vadd.f32 v61, v6;
	v7 =	vadd.f32 v53, v7  }
0xe0: {  	[tilespmem:s23+$0x14C00] =	vst v3;
	v60 =	vld [tilespmem:s23+$0x13780];
	v3 =	vadd.f32 v25, v4;
	v59 =	vadd.f32 v54, v8  }
0xe1: {  	[tilespmem:s23+$0x14C80] =	vst v14;
	v6 =	vadd.f32 v62, v6;
	v7 =	vadd.f32 v55, v7  }
0xe2: {  	p0 =	sne.s32 s22, $0x2F0;
	[tilespmem:s23+$0x14D00] =	vst v5;
	v3 =	vadd.f32 v26, v3;
	v4 =	vadd.f32 v56, v59  }
.Ltmp0:
0xe3: {  	[tilespmem:s23+$0x14D80] =	vst v16;
	v61 =	vadd.f32 v63, v6;
	v62 =	vadd.f32 v57, v7;
	(pc) =	sbr.rel @p0 .LBB2_3-.Ltmp0, $4  }
0xe4: {  	[tilespmem:s23+$0x14E00] =	vst v3;
	v3 =	vadd.f32 v58, v4  }
0xe5: {  	[tilespmem:s23+$0x14E80] =	vst v61;
	v63 =	vadd.f32 v60, v62  }
0xe6: {  	[tilespmem:s23+$0x14F00] =	vst v3  }
0xe7: {  	s21 =	sadd.s32 $0x80, s21;
	s22 =	sadd.s32 $0x10, s22;
	[tilespmem:s24+$0x14C00] =	vst v63  }
0xe8: {  	s21 =	sadd.s32 s8, s20  }
0xe9: {  	s20 =	sadd.s32 $0x1, s20;
	s21 =	smul.u32 $0x300, s21  }
0xea: {  	s22 =	rddreg [dreg:$0x1];
	p0 =	sne.s32 s20, $0x81  }
.Ltmp1:
0xeb: {  	s24 =	simm.s32 $0x0;
	s21 =	sadd.s32 s22, s21;
	(pc) =	sbr.rel @p0 .LBB2_2-.Ltmp1, $4  }
0xec: {  	[hbm4b:s21+s24] =	stream.linear.scatter [tilespmem:s18], [sflag:$0x2], $0x1800, $0x38;
	[tilespmem:$0x16400] =	vst v63  }
0xed: {  	_ =	swait.ge [sflag:s19], $0x1800  }
0xee: {  	[sflag:s19] =	ssyncset.done $0x0  }
0xef: {  	[sflag:s19] =	ssyncadd.s32 $0xFFFFE800  }
0xf0: {  	s21 =	rddreg [dreg:$0x5]  }
0xf1: {  	s20 =	rddreg [dreg:$0x4];
	s21 =	sadd.s32 $0x1, s21  }
0xf2: {  	p0 =	sne.s32 s21, s20  }
.Ltmp2:
0xf3: {  	_ = 	snop;
	(pc) =	sbr.rel @p0 .LBB2_1-.Ltmp2, $1  }
0xf4: {  	_ =	sdelay $0x3  }
0xf5: {  	_ =	sfence.sel $0x180000  }
0xf6: {  	[bflag:$0x0] =	sbarrier.arrive $0xFFFF  }
0xf7: {  	_ =	strace $0x90000047  }
0xf8: {  	s0 =	stileid.u32;
	[bflag:$0x2] =	sbarrier.arrive $0xFFFF  }
0xf9: {  	p0 =	sne.s32 s0, $0x0;
	s0 =	rddreg [dreg:$0x2]  }
0xfa: {  	s0 =	sadd.s32 @!p0 $0x100000, s0  }
0xfb: {  	[sflag:s0] =	ssyncadd.tile.s32 @!p0 $0x1;
	_ =	shalt  }
.Lfunc_end2:
_tile_overlayer_lowered:
.L_overlay_start_2:
0xfc: {  	(tag) =	ssettag $0x2  }
0xfd: {  	s0 =	rddreg [dreg:$0x0];
	s2 =	stileid.u32  }
0xfe: {  	s1 =	rddreg [dreg:$0x1];
	p0 =	sne.s32 s2, $0x0  }
0xff: {  	s3 =	rddreg [dreg:$0x2];
	[bflag:$0x3] =	sbarrier.arrive $0xFFFF;
	s2 =	simm.s32 @!p0 $0x1C03  }
0x100: {  	[timem:s3], [sflag:s2] =	dma.local @!p0 [hbm:s0], s1  }
0x101: {  	s0 =	simm.s32 @!p0 $0x3  }
0x102: {  	_ =	swait.ge @!p0 [sflag:s0], s1  }
0x103: {  	s1 =	ssub.s32 @!p0 $0x0, s1;
	[sflag:s0] =	ssyncset.done @!p0 $0x0  }
0x104: {  	[sflag:s0] =	ssyncadd.s32 @!p0 s1  }
0x105: {  	[bflag:$0x3] =	sbarrier.arrive $0xFFFF  }
0x106: {  	_ =	shalt  }

// kernel: sparse-core-data-format-call.cloned.1.call-start
scs
called_computation_lowered:
.L_overlay_start_0:
0x0: {  	s2 =	sld [smem:$0x3FD9]  }
0x1: {  	s3 =	sld [smem:$0x3FFE];
	_ =	sdelay $0x1  }
0x2: {  	s1 =	srdreg.scid  }
0x3: {  	s0 =	sand.u32 $0x1, s1  }
0x4: {  	s18 =	sshll.u32 s0, $0xA;
	s2 =	sadd.s32 s3, s2  }
0x5: {  	s2 =	sadd.s32 s2, s18  }
0x6: {  	[smem:$0x3FC1] =	sst s2  }
0x7: {  	_ = 	snop  }
0x8: {  	s2 =	sld [smem:$0x3FD0];
	(tm) =	ssettm $0x1  }
0x9: {  	s19 =	sld [smem:$0x3FFB];
	_ =	sdelay $0x3  }
0xa: {  	_ =	strace s19  }
0xb: {  	s3 =	sld [smem:$0x3FFC];
	_ =	sdelay $0x3  }
0xc: {  	_ =	strace s3  }
0xd: {  	s3 =	sld [smem:$0x3FFD];
	_ =	sdelay $0x3  }
0xe: {  	_ =	strace s3  }
0xf: {  	_ =	strace $0x8FFFFFFF  }
0x10: {  	s20 =	sld [smem:$0x3FDB];
	_ =	sdelay $0x1  }
0x11: {  	s4 =	simm.s32 $_scs_section_size  }
0x12: {  	s5 =	simm.s32 $_size__tile_overlayer_lowered;
	s6 =	simm.s32 $_tile_overlayer_lowered  }
0x13: {  	s23 =	simm.s32 $0x1BFF;
	s22 =	sshll.u32 s6, $0x1;
	s3 =	sadd.s32 s4, s20  }
0x14: {  	s7 =	simm.s32 $0x0;
	s21 =	sshll.u32 s5, $0x1;
	s5 =	sadd.s32 s22, s3  }
0x15: {  	[timem:s7], [sflag:s23] =	dma.local [hbm:s5], s21  }
0x16: {  	_ =	swait.ge [sflag:s23], s21  }
0x17: {  	s4 =	ssub.s32 $0x0, s21;
	[sflag:s23] =	ssyncset.done $0x0  }
0x18: {  	[sflag:s23] =	ssyncadd.s32 s4;
	_ =	sdelay $0x1  }
0x19: {  	s24 =	simm.s32 $0x1B8B  }
0x1a: {  	_ =	swait.ge [sflag:s24], $0x1  }
0x1b: {  	[sflag:s24] =	ssyncset.done $0x0  }
0x1c: {  	s26 =	simm.s32 $0x1B8E;
	s25 =	sld [smem:$0x3FFE];
	[sflag:s24] =	ssyncadd.s32 $0xFFFFFFFF  }
0x1d: {  	s27 =	simm.s32 $execute0_lowered;
	[smem:$0x3FD2] =	sst s26  }
0x1e: {  	s5 =	sshll.u32 s27, $0x1;
	_ =	strace $0x80000049;
	[dreg:$0x1] =	wrdreg $0xFFFFFFFF  }
0x1f: {  	s28 =	simm.s32 $_size_execute0_lowered;
	s3 =	sadd.s32 s3, s5;
	[dreg:$0x0] =	wrdreg $0x0  }
0x20: {  	s5 =	sshll.u32 s28, $0x1;
	[dreg:$0x2] =	wrdreg s3  }
0x21: {  	[dreg:$0x3] =	wrdreg s5  }
0x22: {  	[dreg:$0x4] =	wrdreg $0xC0  }
0x23: {  	_ =	task [dreg:s7], $0x5FFFF  }
0x24: {  	[dreg:$0x1] =	wrdreg $0xFFFFFFFF  }
0x25: {  	[dreg:$0x0] =	wrdreg $0x60  }
0x26: {  	[dreg:$0x2] =	wrdreg s25  }
0x27: {  	[dreg:$0x3] =	wrdreg s2  }
0x28: {  	[dreg:$0x4] =	wrdreg $0x9  }
0x29: {  	_ =	task.clear_ibuf [dreg:s7], $0x5FFFF;
	_ =	strace $0x90000049  }
0x2a: {  	s29 =	simm.s32 $0x9;
	_ =	strace $0x8000004B  }
0x2b: {  	_ =	swait.ge [sflag:s29], $0x1  }
0x2c: {  	[sflag:s29] =	ssyncadd.s32 $0xFFFFFFFF  }
0x2d: {  	_ =	strace $0x9000004B  }
0x2e: {  	_ =	sfence  }
0x2f: {  	s30 =	sld [smem:$0x0];
	_ =	sdelay $0x2  }
0x30: {  	s31 =	sshll.u32 s1, $0xD;
	s1 =	sshrl.u32 s1, $0x2  }
0x31: {  	s3 =	sand.u32 $0x4000, s31;
	s1 =	sadd.s32 s1, s30  }
0x32: {  	s0 =	sor.u32 s3, s0;
	s1 =	sshll.u32 s1, $0x11  }
0x33: {  	s0 =	sor.u32 s1, s0  }
0x34: {  	s0 =	sadd.s32 $0x8F2B, s0  }
0x35: {  	[sflag:s0] =	ssyncadd.remote.s32 $0x1  }
0x36: {  	_ =	sfence.sel $0xFFFF  }
0x37: {  	[dreg:$0x0] =	wrdreg $0xFFFFFFFF;
	(pc) =	sbr.abs _section_cstart, $3  }
0x38: {  	[dreg:$0x1] =	wrdreg $0xFFFFFFFF  }
0x39: {  	_ =	task.clear_ibuf [dreg:s7], $0x2FFFF;
	_ =	strace $0x9FFFFFFF  }
0x3a: {  	(tm) =	ssettm $0x7FFFFFFF  }
0x3b: {  	_ =	shalt  }
tec
execute0_lowered:
.L_overlay_start_1:
0x0: {  	(tag) =	ssettag $0x1  }
0x1: {  	s0 =	stileid.u32;
	s1 =	srdreg.scid  }
0x2: {  	s1 =	sshll.u32 s1, $0x4;
	s2 =	sshll.u32 s0, $0x7  }
0x3: {  	s7 =	rddreg [dreg:$0x0];
	s3 =	sand.u32 $0x10, s1;
	s1 =	sand.u32 $0x80, s2  }
0x4: {  	s8 =	simm.s32 $0x2;
	s30 =	sor.u32 s0, s3;
	s4 =	ssub.s32 $0x100, s1  }
0x5: {  	s16 =	simm.s32 $0x0;
	s3 =	sshrl.u32 s30, $0x1;
	s31 =	sshrl.u32 s4, $0x7  }
0x6: {  	s4 =	sshrl.u32 s4, $0x8;
	s2 =	sand.u32 $0x1, s31;
	s5 =	ssub.s32 $0x90, s3  }
0x7: {  	s9 =	simm.s32 $0x1800;
	s2 =	sadd.s32 s4, s2;
	s5 =	sshrl.u32 s5, $0x4  }
0x8: {  	s10 =	simm.s32 $0x0;
	s15 =	simm.s32 $0x0;
	s6 =	smul.u32 s5, s2  }
.Ltmp0:
0x9: {  	s17 =	simm.s32 $0x0;
	s4 =	rddreg [dreg:$0x1];
	(pc) =	sbr.rel .LBB1_1-.Ltmp0, $4  }
0xa: {  	s11 =	simm.s32 $0x0;
	s14 =	simm.s32 $0x0;
	s2 =	rddreg [dreg:$0x2]  }
0xb: {  	_ =	strace $0x8000004A;
	s5 =	simm.s32 $0x1;
	s6 =	smul.u32 $0x6, s6  }
0xc: {  	s7 =	sadd.s32 $0x1C00, s7;
	s13 =	smov.u32 s1;
	[sflag:s5] =	ssyncpa.u1 $0x0  }
0xd: {  	s12 =	smov.u32 s3;
	[sflag:s8] =	ssyncpa.u1 $0x0;
	s8 =	sor.u32 $0x1, s6  }
.LBB1_4:
0xe: {  	_ =	sdelay $0x2  }
0xf: {  	s21 =	sshrl.u32 s17, $0x3  }
0x10: {  	[tilespmem:v0+s20+$0xFFFFFFD0 ss:$0x1] =	vst.idx.msk $0xffff, v7;
	s22 =	sshll.u32 s16, $0x3;
	s21 =	smul.u32 $0x1800, s21  }
0x11: {  	v56 =	vld.idx.msk [tilespmem:v1+s19+$0x0 ss:$0x1], $0xffff;
	[tilespmem:v0+s20+$0xFFFFFFE0 ss:$0x1] =	vst.idx.msk $0xffff, v5;
	s27 =	sshll.u32 s17, $0x7;
	s22 =	sand.u32 $0xFFFFFC00, s22  }
0x12: {  	v57 =	vld.idx.msk [tilespmem:v1+s19+$0xFFFFFF90 ss:$0x1], $0xffff;
	[tilespmem:v0+s20+$0xFFFFFFF0 ss:$0x1] =	vst.idx.msk $0xffff, v4;
	s17 =	sand.u32 $0x380, s27;
	s21 =	sadd.s32 s21, s22  }
0x13: {  	v58 =	vld.idx.msk [tilespmem:v1+s19+$0xFFFFFFA0 ss:$0x1], $0xffff;
	[tilespmem:v0+s20+$0x0 ss:$0x1] =	vst.idx.msk $0xffff, v2;
	s28 =	sand.u32 $0x7F, s16;
	s17 =	sor.u32 s17, s21  }
0x14: {  	v59 =	vld.idx.msk [tilespmem:v1+s19+$0xFFFFFFB0 ss:$0x1], $0xffff;
	[tilespmem:v0+s20+$0x10 ss:$0x1] =	vst.idx.msk $0xffff, v3;
	s16 =	sor.u32 s28, s17  }
0x15: {  	v60 =	vld.idx.msk [tilespmem:v1+s19+$0xFFFFFFC0 ss:$0x1], $0xffff;
	[tilespmem:v0+s20+$0x20 ss:$0x1] =	vst.idx.msk $0xffff, v6;
	s29 =	smulhi.u32 $0xAAAAAAAB, s16  }
0x16: {  	v61 =	vld.idx.msk [tilespmem:v1+s19+$0xFFFFFFD0 ss:$0x1], $0xffff;
	[tilespmem:v0+s19+$0x30 ss:$0x1] =	vst.idx.msk $0xffff, v56;
	s17 =	smulhi.u32 $0xAAAAAAAB, s17  }
0x17: {  	v62 =	vld.idx.msk [tilespmem:v1+s19+$0xFFFFFFE0 ss:$0x1], $0xffff;
	[tilespmem:v0+s19+$0xFFFFFFC0 ss:$0x1] =	vst.idx.msk $0xffff, v57;
	s20 =	sshrl.u32 s29, $0x9  }
0x18: {  	v63 =	vld.idx.msk [tilespmem:v1+s19+$0xFFFFFFF0 ss:$0x1], $0xffff;
	[tilespmem:v0+s19+$0xFFFFFFD0 ss:$0x1] =	vst.idx.msk $0xffff, v58;
	s17 =	sshrl.u32 s17, $0x9;
	s20 =	smul.u32 $0x300, s20  }
0x19: {  	s15 =	smul.u32 $0x6000, s15;
	[tilespmem:v0+s19+$0xFFFFFFE0 ss:$0x1] =	vst.idx.msk $0xffff, v59;
	s17 =	sand.u32 $0xFF, s17  }
0x1a: {  	[tilespmem:v0+s19+$0xFFFFFFF0 ss:$0x1] =	vst.idx.msk $0xffff, v60;
	s17 =	smul.u32 $0x60, s17;
	s16 =	ssub.s32 s16, s20  }
0x1b: {  	s15 =	sadd.s32 s4, s15;
	[tilespmem:v0+s19+$0x0 ss:$0x1] =	vst.idx.msk $0xffff, v61;
	s20 =	sand.u32 $0x7, s16  }
0x1c: {  	[tilespmem:v0+s19+$0x10 ss:$0x1] =	vst.idx.msk $0xffff, v62;
	s15 =	sadd.s32 s17, s15;
	s16 =	sshrl.u32 s16, $0x3;
	s30 =	sshll.u32 s20, $0x12  }
0x1d: {  	[tilespmem:v0+s19+$0x20 ss:$0x1] =	vst.idx.msk $0xffff, v63;
	s15 =	sadd.s32 s16, s15;
	s31 =	sor.u32 $0x400, s30  }
0x1e: {  	[hbm4b:s15+s31] =	stream.strided.scatter [tilespmem:s18], [sflag:$0x2], $0x4000, s9, s31, $0x38;
	[tilespmem:$0x10000] =	vst v63  }
.LBB1_5:
0x1f: {  	s18 =	sadd.s32 $0x80, s11  }
0x20: {  	s15 =	sadd.s32 $0x10, s12;
	s19 =	smov.u32 s12;
	p1 =	sgt.s32 s18, $0x2FF  }
0x21: {  	s19 =	smov.u32 @p1 s15  }
0x22: {  	s21 =	smov.u32 s13;
	s15 =	sadd.s32 $0x100, s13;
	p2 =	sgt.s32 s19, $0x80  }
0x23: {  	s21 =	smov.u32 @p2 s15  }
0x24: {  	s18 =	simm.s32 @p1 $0x0;
	p1 =	sgt.s32 s21, $0xFF  }
0x25: {  	p0 =	slt.u32 s14, $0x2;
	s21 =	smov.u32 @p1 s1;
	p1 =	sne.s32 s14, s8  }
.Ltmp1:
0x26: {  	s20 =	simm.s32 @!p0 $0x2;
	(pc) =	sbr.rel @!p1 .LBB1_6-.Ltmp1, $4  }
0x27: {  	s16 =	smov.u32 s11;
	s17 =	smov.u32 s13;
	_ =	swait.ge @!p0 [sflag:s20], $0x4000  }
0x28: {  	s10 =	sadd.s32 $0x4000, s10;
	[sflag:s20] =	ssyncset.done @!p0 $0x0;
	s11 =	smov.u32 s18  }
0x29: {  	s19 =	smov.u32 @p2 s3;
	s15 =	smov.u32 s12;
	[sflag:s20] =	ssyncadd.s32 @!p0 $0xFFFFC000  }
0x2a: {  	s12 =	smov.u32 s19;
	s14 =	sadd.s32 $0x1, s14;
	s13 =	smov.u32 s21  }
.LBB1_1:
0x2b: {  	p0 =	sge.u32 s14, s6  }
0x2c: {  	s18 =	sshrl.u32 @!p0 s12, $0x3  }
0x2d: {  	s19 =	sshll.u32 @!p0 s11, $0x3;
	s18 =	smul.u32 @!p0 $0x1800, s18  }
0x2e: {  	s20 =	sshll.u32 @!p0 s12, $0x7;
	s19 =	sand.u32 @!p0 $0xFFFFFC00, s19  }
0x2f: {  	s18 =	sadd.s32 @!p0 s18, s19;
	s19 =	sand.u32 @!p0 $0x380, s20  }
0x30: {  	s18 =	sor.u32 @!p0 s19, s18  }
0x31: {  	s19 =	sand.u32 @!p0 $0x7F, s11;
	s20 =	smulhi.u32 @!p0 $0xAAAAAAAB, s18  }
0x32: {  	s18 =	sor.u32 @!p0 s19, s18  }
0x33: {  	s19 =	smulhi.u32 @!p0 $0xAAAAAAAB, s18;
	s20 =	sshrl.u32 @!p0 s20, $0x9  }
0x34: {  	s21 =	smulhi.u32 @!p0 $0x1E1E1E2, s20;
	_ =	sdelay $0x1  }
0x35: {  	s19 =	sshrl.u32 @!p0 s19, $0x9;
	s21 =	smul.u32 @!p0 $0x88, s21  }
0x36: {  	s31 =	sadd.s32 $0xFFFFFFFF, s14;
	s19 =	smul.u32 @!p0 $0x300, s19  }
0x37: {  	s22 =	sxor.u32 @!p0 $0xFFFFFFFF, s14;
	s20 =	ssub.s32 @!p0 s20, s21;
	s21 =	smul.u32 @!p0 $0x3300, s13  }
0x38: {  	s22 =	sshll.u32 @!p0 s22, $0xE;
	s18 =	ssub.s32 @!p0 s18, s19;
	s19 =	smul.u32 @!p0 $0x60, s20  }
0x39: {  	s20 =	sand.u32 @!p0 $0x4000, s22;
	s22 =	sand.u32 @!p0 $0x7, s18;
	s21 =	sadd.s32 @!p0 s7, s21  }
0x3a: {  	s18 =	sshrl.u32 @!p0 s18, $0x3;
	s19 =	sadd.s32 @!p0 s19, s21;
	s21 =	sshll.u32 @!p0 s22, $0x12  }
0x3b: {  	s18 =	sadd.s32 @!p0 s18, s19;
	s19 =	sor.u32 @!p0 $0x80, s21;
	s21 =	simm.s32 @!p0 $0x19800  }
0x3c: {  	[tilespmem:s20], [sflag:$0x1] =	stream.strided.gather @!p0 [hbm4b:s18+s19], $0x4000, s21, s19, $0x38;
	[tilespmem:$0x10000] =	vst v63  }
0x3d: {  	p0 =	sge.u32 s31, s6  }
.Ltmp2:
0x3e: {  	_ = 	snop;
	(pc) =	sbr.rel @p0 .LBB1_5-.Ltmp2, $1  }
0x3f: {  	_ =	sdelay $0x3  }
0x40: {  	s18 =	sand.u32 $0x4000, s10  }
0x41: {  	s19 =	sor.u32 $0x70, s18  }
0x42: {  	v1 =	vmov s19;
	_ =	sdelay $0x1  }
0x43: {  	_ =	swait.ge [sflag:s5], $0x4000  }
0x44: {  	[sflag:s5] =	ssyncset.done $0x0  }
0x45: {  	s20 =	simm.s32 $0x0;
	[sflag:s5] =	ssyncadd.s32 $0xFFFFC000  }
0x46: {  	s18 =	sor.u32 $0x8040, s18;
	v6 =	vld.idx.msk [tilespmem:v1+s20+$0x0 ss:$0x1], $0xffff  }
0x47: {  	v0 =	vmov s18;
	v8 =	vld.idx.msk [tilespmem:v1+s20+$0xFFFFFF90 ss:$0x1], $0xffff  }
0x48: {  	v7 =	vld.idx.msk [tilespmem:v1+s20+$0xFFFFFFA0 ss:$0x1], $0xffff  }
0x49: {  	v5 =	vld.idx.msk [tilespmem:v1+s20+$0xFFFFFFB0 ss:$0x1], $0xffff  }
0x4a: {  	v4 =	vld.idx.msk [tilespmem:v1+s20+$0xFFFFFFC0 ss:$0x1], $0xffff  }
0x4b: {  	s31 =	sshll.u32 s14, $0xE;
	v2 =	vld.idx.msk [tilespmem:v1+s20+$0xFFFFFFD0 ss:$0x1], $0xffff  }
0x4c: {  	s18 =	sand.u32 $0x4000, s31;
	v3 =	vld.idx.msk [tilespmem:v1+s20+$0xFFFFFFE0 ss:$0x1], $0xffff;
	[tilespmem:v0+s20+$0x30 ss:$0x1] =	vst.idx.msk $0xffff, v6  }
0x4d: {  	s21 =	simm.s32 $0x400;
	s19 =	simm.s32 $0x80;
	s18 =	sor.u32 $0x8000, s18;
	[tilespmem:v0+s20+$0xFFFFFFC0 ss:$0x1] =	vst.idx.msk $0xffff, v8;
	v6 =	vld.idx.msk [tilespmem:v1+s20+$0xFFFFFFF0 ss:$0x1], $0xffff  }
.LBB1_3:
0x4e: {  	p0 =	sne.s32 s21, $0xFE00;
	v8 =	vld.idx.msk [tilespmem:v1+s19+$0x0 ss:$0x1], $0xffff;
	[tilespmem:v0+s20+$0xFFFFFFD0 ss:$0x1] =	vst.idx.msk $0xffff, v7  }
0x4f: {  	v9 =	vld.idx.msk [tilespmem:v1+s19+$0xFFFFFF90 ss:$0x1], $0xffff;
	[tilespmem:v0+s20+$0xFFFFFFE0 ss:$0x1] =	vst.idx.msk $0xffff, v5  }
0x50: {  	v7 =	vld.idx.msk [tilespmem:v1+s19+$0xFFFFFFA0 ss:$0x1], $0xffff;
	[tilespmem:v0+s20+$0xFFFFFFF0 ss:$0x1] =	vst.idx.msk $0xffff, v4  }
.Ltmp3:
0x51: {  	v5 =	vld.idx.msk [tilespmem:v1+s19+$0xFFFFFFB0 ss:$0x1], $0xffff;
	[tilespmem:v0+s20+$0x0 ss:$0x1] =	vst.idx.msk $0xffff, v2;
	(pc) =	sbr.rel @p0 .LBB1_3-.Ltmp3, $4  }
0x52: {  	v4 =	vld.idx.msk [tilespmem:v1+s19+$0xFFFFFFC0 ss:$0x1], $0xffff;
	[tilespmem:v0+s20+$0x10 ss:$0x1] =	vst.idx.msk $0xffff, v3  }
0x53: {  	v2 =	vld.idx.msk [tilespmem:v1+s19+$0xFFFFFFD0 ss:$0x1], $0xffff;
	[tilespmem:v0+s20+$0x20 ss:$0x1] =	vst.idx.msk $0xffff, v6;
	s20 =	smov.u32 s19  }
0x54: {  	v3 =	vld.idx.msk [tilespmem:v1+s20+$0xFFFFFFE0 ss:$0x1], $0xffff;
	[tilespmem:v0+s20+$0x30 ss:$0x1] =	vst.idx.msk $0xffff, v8  }
0x55: {  	s19 =	sshra.s32 s21, $0x2;
	s21 =	sadd.s32 $0x200, s21;
	[tilespmem:v0+s20+$0xFFFFFFC0 ss:$0x1] =	vst.idx.msk $0xffff, v9;
	v6 =	vld.idx.msk [tilespmem:v1+s20+$0xFFFFFFF0 ss:$0x1], $0xffff  }
.Ltmp4:
0x56: {  	_ = 	snop;
	(pc) =	sbr.rel .LBB1_4-.Ltmp4, $1  }
0x57: {  	_ =	sdelay $0x3  }
.LBB1_6:
0x58: {  	_ =	sfence.sel $0x180000  }
0x59: {  	s1 =	simm.s32 $0x1;
	[bflag:$0x0] =	sbarrier.arrive $0xFFFF  }
0x5a: {  	s31 =	simm.s32 $0x2;
	[sflag:s1] =	ssyncpa.u1 $0x1  }
0x5b: {  	[sflag:s31] =	ssyncpa.u1 $0x1  }
0x5c: {  	p0 =	sne.s32 s0, $0x0;
	_ =	strace $0x9000004A  }
0x5d: {  	s0 =	sadd.s32 @!p0 $0x100000, s2;
	[bflag:$0x2] =	sbarrier.arrive $0xFFFF  }
0x5e: {  	[sflag:s0] =	ssyncadd.tile.s32 @!p0 $0x1;
	_ =	shalt  }
.Lfunc_end1:
_tile_overlayer_lowered:
.L_overlay_start_2:
0x5f: {  	(tag) =	ssettag $0x2  }
0x60: {  	s0 =	rddreg [dreg:$0x0];
	s2 =	stileid.u32  }
0x61: {  	s1 =	rddreg [dreg:$0x1];
	p0 =	sne.s32 s2, $0x0  }
0x62: {  	s3 =	rddreg [dreg:$0x2];
	[bflag:$0x3] =	sbarrier.arrive $0xFFFF;
	s2 =	simm.s32 @!p0 $0x1C01  }
0x63: {  	[timem:s3], [sflag:s2] =	dma.local @!p0 [hbm:s0], s1  }
0x64: {  	s0 =	simm.s32 @!p0 $0x1  }
0x65: {  	_ =	swait.ge @!p0 [sflag:s0], s1  }
0x66: {  	s1 =	ssub.s32 @!p0 $0x0, s1;
	[sflag:s0] =	ssyncset.done @!p0 $0x0  }
0x67: {  	[sflag:s0] =	ssyncadd.s32 @!p0 s1  }
0x68: {  	[bflag:$0x3] =	sbarrier.arrive $0xFFFF  }
0x69: {  	_ =	shalt  }

</sc_bundles>
